<compile_context>
chip_gen: v7x
topology: tpu7x:2x2x1
jax: 0.10.2.dev20260603
libtpu: 0.0.44.dev20260713+nightly
codegen_flags: <defaults>
</compile_context>

<pallas_src>
import functools

import jax
import jax.numpy as jnp
from jax import lax
from jax.experimental import pallas as pl
from jax.experimental.pallas import tpu as pltpu
from jax.experimental.pallas import tpu_sc as plsc

N_NODES = 10000
N_EDGES = 320000
E_TOT = N_EDGES + N_NODES
NW = 32
K_EDGE = 120
STEPS = 86
T_EDGE = STEPS * K_EDGE
E_PAD = NW * T_EDGE
N_ACC = 10000
ROW_BLK = 1000



def _prep_body(x_ref, w_ref, a_ref, hs_ref, adst_ref, cvec_ref, mx_ref):
    i = pl.program_id(0)
    d = w_ref.shape[1]
    h = jnp.dot(x_ref[...], w_ref[...], preferred_element_type=jnp.float32)
    ap = jnp.dot(h, a_ref[...], preferred_element_type=jnp.float32)
    hs_ref[:, :d] = h
    hs_ref[:, d:d + 16] = ap[:, 0:16]
    adst_ref[...] = ap[:, 16:32]
    blkmax = jnp.max(ap[:, 0:16], axis=0, keepdims=True)

    @pl.when(i == 0)
    def _():
        mx_ref[...] = blkmax

    @pl.when(i > 0)
    def _():
        mx_ref[...] = jnp.maximum(mx_ref[...], blkmax)

    cvec_ref[...] = jnp.concatenate(
        [jnp.zeros((1, 8), jnp.float32), mx_ref[:, 0:8]], axis=1)


def _prep(x, W, A):
    n, d_in = x.shape
    d = W.shape[1]
    nblk = n // ROW_BLK
    return pl.pallas_call(
        _prep_body,
        grid=(nblk,),
        in_specs=[
            pl.BlockSpec((ROW_BLK, d_in), lambda i: (i, 0)),
            pl.BlockSpec((d_in, d), lambda i: (0, 0)),
            pl.BlockSpec((d, 32), lambda i: (0, 0)),
        ],
        out_specs=[
            pl.BlockSpec((ROW_BLK, d + 16), lambda i: (i, 0)),
            pl.BlockSpec((ROW_BLK, 16), lambda i: (i, 0)),
            pl.BlockSpec((1, 16), lambda i: (0, 0)),
        ],
        out_shape=[
            jax.ShapeDtypeStruct((n, d + 16), jnp.float32),
            jax.ShapeDtypeStruct((n, 16), jnp.float32),
            jax.ShapeDtypeStruct((1, 16), jnp.float32),
        ],
        scratch_shapes=[pltpu.VMEM((1, 16), jnp.float32)],
    )(x, W, A)


def _att_matrix(att_src, att_dst, heads, ch):
    d = heads * ch
    A = jnp.zeros((d, 32), jnp.float32)
    hh = jnp.arange(heads)
    rows = (hh[:, None] * ch + jnp.arange(ch)[None, :]).reshape(-1)
    cols = jnp.repeat(hh, ch)
    asrc = att_src.reshape(-1)
    adst = att_dst.reshape(-1)
    A = A.at[rows, cols].set(asrc)
    A = A.at[rows, cols + 16].set(adst)
    A = A.at[rows, cols + 24].set(adst)
    return A



def _take16(v, idx):
    dn = lax.GatherDimensionNumbers(
        offset_dims=(), collapsed_slice_dims=(0,), start_index_map=(0,))
    return lax.gather(v, idx[:, None], dn, (1,),
                      mode=lax.GatherScatterMode.PROMISE_IN_BOUNDS)


def _make_edge_kernel(D, H):
    ROW = D + 16
    NV = D // 16
    mesh = plsc.VectorSubcoreMesh(core_axis_name="c", subcore_axis_name="s")

    @functools.partial(
        pl.kernel,
        out_type=jax.ShapeDtypeStruct((2, N_ACC, ROW), jnp.float32),
        mesh=mesh,
        scratch_types=[
            pltpu.VMEM((K_EDGE,), jnp.int32),
            pltpu.VMEM((K_EDGE,), jnp.int32),
            pltpu.VMEM((K_EDGE,), jnp.int32),
            pltpu.VMEM((K_EDGE,), jnp.int32),
            pltpu.VMEM((K_EDGE, ROW), jnp.float32),
            pltpu.VMEM((K_EDGE, ROW), jnp.float32),
            pltpu.VMEM((K_EDGE, 16), jnp.float32),
            pltpu.VMEM((K_EDGE, 16), jnp.float32),
            pltpu.VMEM((1, 16), jnp.float32),
            pltpu.VMEM_SHARED((N_ACC, ROW), jnp.float32),
            pltpu.SemaphoreType.DMA,
            pltpu.SemaphoreType.DMA,
            pltpu.SemaphoreType.DMA,
            pltpu.SemaphoreType.DMA,
        ],
        compiler_params=pltpu.CompilerParams(use_tc_tiling_on_sc=False),
    )
    def edge_kernel(hs_hbm, adst_hbm, cvec_hbm, sidx_hbm, didx_hbm, zeros_hbm,
                    out_hbm, si0, si1, di0, di1, rows0, rows1, ad0, ad1,
                    cvec_v, acc_sh, sr0, sr1, sa0, sa1):
        sidx = (si0, si1)
        didx = (di0, di1)
        rows = (rows0, rows1)
        ads = (ad0, ad1)
        sem_r = (sr0, sr1)
        sem_a = (sa0, sa1)
        cid = lax.axis_index("c")
        sid = lax.axis_index("s")
        wid = sid * 2 + cid
        rpc = 624
        pltpu.sync_copy(zeros_hbm.at[pl.ds(0, rpc)],
                        acc_sh.at[pl.ds(sid * rpc, rpc)])

        @pl.when(sid == 15)
        def _():
            pltpu.sync_copy(zeros_hbm.at[pl.ds(0, 16)],
                            acc_sh.at[pl.ds(9984, 16)])

        pltpu.sync_copy(cvec_hbm, cvec_v)
        plsc.subcore_barrier()
        cv = cvec_v[0]
        iot = lax.iota(jnp.int32, 16)
        shift_idx = (iot & 7) + 8

        base0 = wid * T_EDGE

        def issue_gather(st, b):
            base = base0 + st * K_EDGE
            pltpu.sync_copy(sidx_hbm.at[pl.ds(base, K_EDGE)], sidx[b])
            pltpu.sync_copy(didx_hbm.at[pl.ds(base, K_EDGE)], didx[b])
            pltpu.async_copy(hs_hbm.at[sidx[b]], rows[b], sem_r[b])
            pltpu.async_copy(adst_hbm.at[didx[b]], ads[b], sem_a[b])

        def wait_gather(st, b):
            pltpu.make_async_copy(hs_hbm.at[sidx[b]], rows[b],
                                  sem_r[b]).wait()
            pltpu.make_async_copy(adst_hbm.at[didx[b]], ads[b],
                                  sem_a[b]).wait()

        issue_gather(0, 0)

        @pl.loop(0, STEPS // 2)
        def _(it):
            for b in range(2):
                st = it * 2 + b
                rv = rows[b]

                @pl.when(st + 1 < STEPS)
                def _():
                    issue_gather(st + 1, 1 - b)

                wait_gather(st, b)

                @pl.loop(0, K_EDGE)
                def _(e):
                    v1 = rv[e, pl.ds(D, 16)]
                    v2 = ads[b][e] + cv
                    t = v1 + v2
                    al = jnp.where(t > 0, t, t * 0.2)
                    mm = _take16(al, shift_idx)
                    w16 = jnp.exp(al - mm)
                    rv[e, pl.ds(D, 16)] = w16
                    for j in range(NV):
                        hj = j if H > 1 else 0
                        ws = _take16(w16, jnp.full((16,), hj, jnp.int32))
                        rv[e, pl.ds(j * 16, 16)] = (
                            rv[e, pl.ds(j * 16, 16)] * ws)

                pltpu.sync_copy(rv, acc_sh.at[didx[b]], add=True)

        plsc.subcore_barrier()
        pltpu.sync_copy(acc_sh.at[pl.ds(sid * rpc, rpc)],
                        out_hbm.at[cid, pl.ds(sid * rpc, rpc)])

        @pl.when(sid == 15)
        def _():
            pltpu.sync_copy(acc_sh.at[pl.ds(9984, 16)],
                            out_hbm.at[cid, pl.ds(9984, 16)])

    return edge_kernel


_edge_kernel_l1 = _make_edge_kernel(128, 8)
_edge_kernel_l2 = _make_edge_kernel(64, 1)



def _epi1_body(acc_ref, r_ref, b_ref, w2_ref, a2_ref,
               hs2_ref, adst2_ref, cvec2_ref, mx_ref):
    i = pl.program_id(0)
    comb = acc_ref[0] + acc_ref[1]
    num = comb[:, :128]
    den = jnp.dot(comb[:, 128:144], r_ref[...],
                  preferred_element_type=jnp.float32)
    pre = num / (den + 1e-16) + b_ref[...]
    x2 = jnp.where(pre > 0, pre, jnp.exp(pre) - 1.0)
    h2 = jnp.dot(x2, w2_ref[...], preferred_element_type=jnp.float32)
    ap2 = jnp.dot(h2, a2_ref[...], preferred_element_type=jnp.float32)
    hs2_ref[:, :64] = h2
    hs2_ref[:, 64:80] = ap2[:, 0:16]
    adst2_ref[...] = ap2[:, 16:32]
    blkmax = jnp.max(ap2[:, 0:16], axis=0, keepdims=True)

    @pl.when(i == 0)
    def _():
        mx_ref[...] = blkmax

    @pl.when(i > 0)
    def _():
        mx_ref[...] = jnp.maximum(mx_ref[...], blkmax)

    cvec2_ref[...] = jnp.concatenate(
        [jnp.zeros((1, 8), jnp.float32), mx_ref[:, 0:8]], axis=1)


def _epi1(acc1, R1, b1row, W2, A2):
    nblk = N_NODES // ROW_BLK
    return pl.pallas_call(
        _epi1_body,
        grid=(nblk,),
        in_specs=[
            pl.BlockSpec((2, ROW_BLK, 144), lambda i: (0, i, 0)),
            pl.BlockSpec((16, 128), lambda i: (0, 0)),
            pl.BlockSpec((1, 128), lambda i: (0, 0)),
            pl.BlockSpec((128, 64), lambda i: (0, 0)),
            pl.BlockSpec((64, 32), lambda i: (0, 0)),
        ],
        out_specs=[
            pl.BlockSpec((ROW_BLK, 80), lambda i: (i, 0)),
            pl.BlockSpec((ROW_BLK, 16), lambda i: (i, 0)),
            pl.BlockSpec((1, 16), lambda i: (0, 0)),
        ],
        out_shape=[
            jax.ShapeDtypeStruct((N_NODES, 80), jnp.float32),
            jax.ShapeDtypeStruct((N_NODES, 16), jnp.float32),
            jax.ShapeDtypeStruct((1, 16), jnp.float32),
        ],
        scratch_shapes=[pltpu.VMEM((1, 16), jnp.float32)],
    )(acc1, R1, b1row, W2, A2)


def _epi2_body(acc_ref, r_ref, b_ref, out_ref):
    comb = acc_ref[0] + acc_ref[1]
    num = comb[:, :64]
    den = jnp.dot(comb[:, 64:80], r_ref[...],
                  preferred_element_type=jnp.float32)
    out_ref[...] = num / (den + 1e-16) + b_ref[...]


def _epi2(acc2, R2, b2row):
    nblk = N_NODES // ROW_BLK
    return pl.pallas_call(
        _epi2_body,
        grid=(nblk,),
        in_specs=[
            pl.BlockSpec((2, ROW_BLK, 80), lambda i: (0, i, 0)),
            pl.BlockSpec((16, 64), lambda i: (0, 0)),
            pl.BlockSpec((1, 64), lambda i: (0, 0)),
        ],
        out_specs=pl.BlockSpec((ROW_BLK, 64), lambda i: (i, 0)),
        out_shape=jax.ShapeDtypeStruct((N_NODES, 64), jnp.float32),
    )(acc2, R2, b2row)


def _bcast_matrix(heads, ch, d):
    R = jnp.zeros((16, d), jnp.float32)
    hh = jnp.repeat(jnp.arange(heads), ch)
    R = R.at[hh, jnp.arange(d)].set(1.0)
    return R


def _sentinel_row(d):
    r = jnp.zeros((1, d + 16), jnp.float32)
    return r.at[0, d:d + 8].set(-1e30)


def kernel(edge_index, node_emb, W1, att_src1, att_dst1, b1, W2, att_src2,
           att_dst2, b2):
    loops = jnp.arange(N_NODES, dtype=edge_index.dtype)
    ei = jnp.concatenate([edge_index, jnp.stack([loops, loops])], axis=1)
    ei = ei.astype(jnp.int32)
    pad = E_PAD - E_TOT
    sidx = jnp.concatenate([ei[0], jnp.full((pad,), N_NODES, jnp.int32)])
    didx = jnp.concatenate([ei[1], jnp.zeros((pad,), jnp.int32)])

    A1 = _att_matrix(att_src1, att_dst1, 8, 16)
    A2 = _att_matrix(att_src2, att_dst2, 1, 64)
    R1 = _bcast_matrix(8, 16, 128)
    R2 = _bcast_matrix(1, 64, 64)
    zeros1 = jnp.zeros((624, 144), jnp.float32)
    zeros2 = jnp.zeros((624, 80), jnp.float32)

    hs1, adst1, cvec1 = _prep(node_emb, W1, A1)
    hs1 = jnp.concatenate([hs1, _sentinel_row(128)])
    acc1 = _edge_kernel_l1(hs1, adst1, cvec1, sidx, didx, zeros1)

    hs2, adst2, cvec2 = _epi1(acc1, R1, b1.reshape(1, 128), W2, A2)
    hs2 = jnp.concatenate([hs2, _sentinel_row(64)])
    acc2 = _edge_kernel_l2(hs2, adst2, cvec2, sidx, didx, zeros2)

    return _epi2(acc2, R2, b2.reshape(1, 64))

# --- scband reference (transcript-rebuilt; emitter-appended) ---
"""Pipeline reference for scband-gatnet-25821343384096 (READ-ONLY COPY).

The authoritative reference and input builder live on the scoring server;
editing this copy changes nothing except your own understanding.
"""

import jax, jax.numpy as jnp
import numpy as np

NUM_NODES = 10000
EMB_DIM = 128
HIDDEN = 128
HEADS = 8
REPR_DIM = 64
N_EDGES = 320000


def gat_conv(x, edge_index, W, att_src, att_dst, bias, heads, out_ch, num_nodes):
    # Faithful PyG GATConv (shared linear for src/dst, edge softmax over dst).
    src = edge_index[0]
    dst = edge_index[1]
    h = (x @ W).reshape(-1, heads, out_ch)                 # [N, H, C]
    a_src = jnp.sum(h * att_src, axis=-1)                  # [N, H]
    a_dst = jnp.sum(h * att_dst, axis=-1)                  # [N, H]
    alpha = a_src[src] + a_dst[dst]                        # [E, H]
    alpha = jax.nn.leaky_relu(alpha, negative_slope=0.2)
    amax = jax.ops.segment_max(alpha, dst, num_segments=num_nodes)
    amax = jnp.where(jnp.isfinite(amax), amax, 0.0)
    ealpha = jnp.exp(alpha - amax[dst])
    denom = jax.ops.segment_sum(ealpha, dst, num_segments=num_nodes)
    alpha_n = ealpha / (denom[dst] + 1e-16)
    msg = h[src] * alpha_n[:, :, None]                     # [E, H, C]
    out = jax.ops.segment_sum(msg, dst, num_segments=num_nodes)
    return out.reshape(num_nodes, heads * out_ch) + bias


def setup_inputs(seed: int = 0):
    key = jax.random.key(seed)
    ks = jax.random.split(key, 12)
    edge_index = jax.random.randint(ks[0], (2, N_EDGES), 0, NUM_NODES, dtype=jnp.int64)
    node_emb = jax.random.normal(ks[1], (NUM_NODES, EMB_DIM), dtype=jnp.float32) * 0.1
    c1 = HIDDEN // HEADS
    W1 = jax.random.normal(ks[2], (EMB_DIM, HEADS * c1), dtype=jnp.float32) * (1.0 / np.sqrt(EMB_DIM))
    att_src1 = jax.random.normal(ks[3], (1, HEADS, c1), dtype=jnp.float32) * 0.1
    att_dst1 = jax.random.normal(ks[4], (1, HEADS, c1), dtype=jnp.float32) * 0.1
    b1 = jnp.zeros((HEADS * c1,), dtype=jnp.float32)
    W2 = jax.random.normal(ks[5], (HIDDEN, REPR_DIM), dtype=jnp.float32) * (1.0 / np.sqrt(HIDDEN))
    att_src2 = jax.random.normal(ks[6], (1, 1, REPR_DIM), dtype=jnp.float32) * 0.1
    att_dst2 = jax.random.normal(ks[7], (1, 1, REPR_DIM), dtype=jnp.float32) * 0.1
    b2 = jnp.zeros((REPR_DIM,), dtype=jnp.float32)
    return {"edge_index": edge_index, "node_emb": node_emb, "W1": W1,
            "att_src1": att_src1, "att_dst1": att_dst1, "b1": b1,
            "W2": W2, "att_src2": att_src2, "att_dst2": att_dst2, "b2": b2}


def reference(edge_index, node_emb, W1, att_src1, att_dst1, b1, W2, att_src2, att_dst2, b2):
    # Eval mode: dropout(p=0.6) is identity.
    # PyG GATConv adds self-loops by default.
    loops = jnp.arange(NUM_NODES, dtype=edge_index.dtype)
    ei = jnp.concatenate([edge_index, jnp.stack([loops, loops])], axis=1)
    x = node_emb
    x = jax.nn.elu(gat_conv(x, ei, W1, att_src1, att_dst1, b1, HEADS, HIDDEN // HEADS, NUM_NODES))
    x = gat_conv(x, ei, W2, att_src2, att_dst2, b2, 1, REPR_DIM, NUM_NODES)
    return x

if __name__ == "__main__":
    import jax
    _d = setup_inputs()
    print(jax.jit(kernel)(*tuple(_d.values())))

</pallas_src>

<mosaic_0001>
#map = affine_map<(d0, d1) -> (0, 0)>
#map1 = affine_map<(d0, d1) -> (0)>
#map2 = affine_map<(d0, d1) -> (0, 0, 0)>
module attributes {stable_mosaic.version = 14 : i64} {
  func.func @edge_kernel(%arg0: i32, %arg1: i32, %arg2: memref<10001x80xf32, #tpu.memory_space<hbm>>, %arg3: memref<10000x16xf32, #tpu.memory_space<hbm>>, %arg4: memref<1x16xf32, #tpu.memory_space<hbm>>, %arg5: memref<330240xi32, #tpu.memory_space<hbm>>, %arg6: memref<330240xi32, #tpu.memory_space<hbm>>, %arg7: memref<624x80xf32, #tpu.memory_space<hbm>>, %arg8: memref<2x10000x80xf32, #tpu.memory_space<hbm>>, %arg9: memref<120xi32, #tpu.memory_space<vmem>>, %arg10: memref<120xi32, #tpu.memory_space<vmem>>, %arg11: memref<120xi32, #tpu.memory_space<vmem>>, %arg12: memref<120xi32, #tpu.memory_space<vmem>>, %arg13: memref<120x80xf32, #tpu.memory_space<vmem>>, %arg14: memref<120x80xf32, #tpu.memory_space<vmem>>, %arg15: memref<120x16xf32, #tpu.memory_space<vmem>>, %arg16: memref<120x16xf32, #tpu.memory_space<vmem>>, %arg17: memref<1x16xf32, #tpu.memory_space<vmem>>, %arg18: memref<10000x80xf32, #tpu.memory_space<vmem_shared>>, %arg19: memref<!tpu.dma_semaphore, #tpu.memory_space<semaphore_mem>>, %arg20: memref<!tpu.dma_semaphore, #tpu.memory_space<semaphore_mem>>, %arg21: memref<!tpu.dma_semaphore, #tpu.memory_space<semaphore_mem>>, %arg22: memref<!tpu.dma_semaphore, #tpu.memory_space<semaphore_mem>>) attributes {dimension_semantics = [#tpu.dimension_semantics<core_parallel>, #tpu.dimension_semantics<subcore_parallel>], iteration_bounds = array<i64: 2, 16>, scalar_prefetch = 0 : i64, scratch_operands = 14 : i64, tpu.core_type = #tpu.core_type<sc_vector_subcore>, window_params = [{transform_indices = #map}, {transform_indices = #map}, {transform_indices = #map}, {transform_indices = #map1}, {transform_indices = #map1}, {transform_indices = #map}, {transform_indices = #map2}]} {
    %mul3A = arith.constant 2 : i32
    %mul3A_0 = arith.muli %arg1, %mul3A : i32
    %add3A = arith.addi %mul3A_0, %arg0 : i32
    %mul3A_1 = arith.constant 624 : i32
    %mul3A_2 = arith.muli %arg1, %mul3A_1 : i32
    "tpu.region"() ({
      %run_scoped3A = tpu.sem_alloc : memref<!tpu.dma_semaphore, #tpu.memory_space<semaphore_mem>>
      %dma_start3A_37 = arith.constant 0 : i32
      %dma_start3A_38 = tpu.memref_slice %arg18[%mul3A_2, %dma_start3A_37] : memref<10000x80xf32, #tpu.memory_space<vmem_shared>> -> memref<624x80xf32, #tpu.memory_space<vmem_shared>>
      %dma_start3A_39 = arith.constant 0 : i32
      %dma_start3A_40 = arith.constant 0 : i32
      %dma_start3A_41 = tpu.memref_slice %arg7[%dma_start3A_39, %dma_start3A_40] : memref<624x80xf32, #tpu.memory_space<hbm>> -> memref<624x80xf32, #tpu.memory_space<hbm>>
      tpu.enqueue_dma source(%dma_start3A_41 : memref<624x80xf32, #tpu.memory_space<hbm>>) target(%dma_start3A_38 : memref<624x80xf32, #tpu.memory_space<vmem_shared>>) target_semaphore(%run_scoped3A : memref<!tpu.dma_semaphore, #tpu.memory_space<semaphore_mem>>)
      %dma_wait3A = arith.constant 0 : i32
      %dma_wait3A_42 = tpu.memref_slice %arg18[%mul3A_2, %dma_wait3A] : memref<10000x80xf32, #tpu.memory_space<vmem_shared>> -> memref<624x80xf32, #tpu.memory_space<vmem_shared>>
      %dma_wait3A_43 = arith.constant 0 : i32
      %dma_wait3A_44 = arith.constant 0 : i32
      %dma_wait3A_45 = tpu.memref_slice %arg7[%dma_wait3A_43, %dma_wait3A_44] : memref<624x80xf32, #tpu.memory_space<hbm>> -> memref<624x80xf32, #tpu.memory_space<hbm>>
      tpu.wait_dma2 semaphore(%run_scoped3A : memref<!tpu.dma_semaphore, #tpu.memory_space<semaphore_mem>>) src(%dma_wait3A_45 : memref<624x80xf32, #tpu.memory_space<hbm>>) dst(%dma_wait3A_42 : memref<624x80xf32, #tpu.memory_space<vmem_shared>>)
      tpu.yield
    }) : () -> ()
    %eq3A = arith.constant 15 : i32
    %eq3A_3 = arith.cmpi eq, %arg1, %eq3A : i32
    %convert_element_type3A = arith.extui %eq3A_3 : i1 to i32
    %cond3A = arith.constant 0 : i32
    %cond3A_4 = arith.cmpi ne, %convert_element_type3A, %cond3A : i32
    scf.if %cond3A_4 {
      "tpu.region"() ({
        %run_scoped3A = tpu.sem_alloc : memref<!tpu.dma_semaphore, #tpu.memory_space<semaphore_mem>>
        %dma_start3A_37 = arith.constant 9984 : i32
        %dma_start3A_38 = arith.constant 0 : i32
        %dma_start3A_39 = tpu.memref_slice %arg18[%dma_start3A_37, %dma_start3A_38] : memref<10000x80xf32, #tpu.memory_space<vmem_shared>> -> memref<16x80xf32, #tpu.memory_space<vmem_shared>>
        %dma_start3A_40 = arith.constant 0 : i32
        %dma_start3A_41 = arith.constant 0 : i32
        %dma_start3A_42 = tpu.memref_slice %arg7[%dma_start3A_40, %dma_start3A_41] : memref<624x80xf32, #tpu.memory_space<hbm>> -> memref<16x80xf32, #tpu.memory_space<hbm>>
        tpu.enqueue_dma source(%dma_start3A_42 : memref<16x80xf32, #tpu.memory_space<hbm>>) target(%dma_start3A_39 : memref<16x80xf32, #tpu.memory_space<vmem_shared>>) target_semaphore(%run_scoped3A : memref<!tpu.dma_semaphore, #tpu.memory_space<semaphore_mem>>)
        %dma_wait3A = arith.constant 9984 : i32
        %dma_wait3A_43 = arith.constant 0 : i32
        %dma_wait3A_44 = tpu.memref_slice %arg18[%dma_wait3A, %dma_wait3A_43] : memref<10000x80xf32, #tpu.memory_space<vmem_shared>> -> memref<16x80xf32, #tpu.memory_space<vmem_shared>>
        %dma_wait3A_45 = arith.constant 0 : i32
        %dma_wait3A_46 = arith.constant 0 : i32
        %dma_wait3A_47 = tpu.memref_slice %arg7[%dma_wait3A_45, %dma_wait3A_46] : memref<624x80xf32, #tpu.memory_space<hbm>> -> memref<16x80xf32, #tpu.memory_space<hbm>>
        tpu.wait_dma2 semaphore(%run_scoped3A : memref<!tpu.dma_semaphore, #tpu.memory_space<semaphore_mem>>) src(%dma_wait3A_47 : memref<16x80xf32, #tpu.memory_space<hbm>>) dst(%dma_wait3A_44 : memref<16x80xf32, #tpu.memory_space<vmem_shared>>)
        tpu.yield
      }) : () -> ()
    } else {
    }
    "tpu.region"() ({
      %run_scoped3A = tpu.sem_alloc : memref<!tpu.dma_semaphore, #tpu.memory_space<semaphore_mem>>
      tpu.enqueue_dma source(%arg4 : memref<1x16xf32, #tpu.memory_space<hbm>>) target(%arg17 : memref<1x16xf32, #tpu.memory_space<vmem>>) target_semaphore(%run_scoped3A : memref<!tpu.dma_semaphore, #tpu.memory_space<semaphore_mem>>)
      tpu.wait_dma2 semaphore(%run_scoped3A : memref<!tpu.dma_semaphore, #tpu.memory_space<semaphore_mem>>) src(%arg4 : memref<1x16xf32, #tpu.memory_space<hbm>>) dst(%arg17 : memref<1x16xf32, #tpu.memory_space<vmem>>)
      tpu.yield
    }) : () -> ()
    %barrier3A = arith.constant 0 : index
    tpu.barrier barrier_id(%barrier3A)
    %get3A = arith.constant 0 : i32
    %get3A_5 = arith.index_cast %get3A : i32 to index
    %get3A_6 = arith.constant 0 : index
    %get3A_7 = tpu.vector_load %arg17[%get3A_5, %get3A_6] {strides = array<i32>} : memref<1x16xf32, #tpu.memory_space<vmem>>, vector<1x16xf32>,
    %get3A_8 = vector.shape_cast %get3A_7 : vector<1x16xf32> to vector<16xf32>
    %iota3A = tpu.iota {dimensions = array<i32: 0>} : vector<16xi32>
    %and3A = arith.constant 7 : i32
    %and3A_9 = vector.broadcast %and3A : i32 to vector<16xi32>
    %and3A_10 = arith.andi %iota3A, %and3A_9 : vector<16xi32>
    %add3A_11 = arith.constant 8 : i32
    %add3A_12 = vector.broadcast %add3A_11 : i32 to vector<16xi32>
    %add3A_13 = arith.addi %and3A_10, %add3A_12 : vector<16xi32>
    %mul3A_14 = arith.constant 10320 : i32
    %mul3A_15 = arith.muli %add3A, %mul3A_14 : i32
    %add3A_16 = arith.constant 0 : i32
    %add3A_17 = arith.addi %mul3A_15, %add3A_16 : i32
    "tpu.region"() ({
      %run_scoped3A = tpu.sem_alloc : memref<!tpu.dma_semaphore, #tpu.memory_space<semaphore_mem>>
      %dma_start3A_37 = tpu.memref_slice %arg5[%add3A_17] : memref<330240xi32, #tpu.memory_space<hbm>> -> memref<120xi32, #tpu.memory_space<hbm>>
      %dma_start3A_38 = tpu.memref_slice %arg5[%add3A_17] : memref<330240xi32, #tpu.memory_space<hbm>> -> memref<120xi32, #tpu.memory_space<hbm>>
      tpu.enqueue_dma source(%dma_start3A_38 : memref<120xi32, #tpu.memory_space<hbm>>) target(%arg9 : memref<120xi32, #tpu.memory_space<vmem>>) target_semaphore(%run_scoped3A : memref<!tpu.dma_semaphore, #tpu.memory_space<semaphore_mem>>)
      %dma_wait3A = tpu.memref_slice %arg5[%add3A_17] : memref<330240xi32, #tpu.memory_space<hbm>> -> memref<120xi32, #tpu.memory_space<hbm>>
      %dma_wait3A_39 = tpu.memref_slice %arg5[%add3A_17] : memref<330240xi32, #tpu.memory_space<hbm>> -> memref<120xi32, #tpu.memory_space<hbm>>
      tpu.wait_dma2 semaphore(%run_scoped3A : memref<!tpu.dma_semaphore, #tpu.memory_space<semaphore_mem>>) src(%dma_wait3A_39 : memref<120xi32, #tpu.memory_space<hbm>>) dst(%arg9 : memref<120xi32, #tpu.memory_space<vmem>>)
      tpu.yield
    }) : () -> ()
    "tpu.region"() ({
      %run_scoped3A = tpu.sem_alloc : memref<!tpu.dma_semaphore, #tpu.memory_space<semaphore_mem>>
      %dma_start3A_37 = tpu.memref_slice %arg6[%add3A_17] : memref<330240xi32, #tpu.memory_space<hbm>> -> memref<120xi32, #tpu.memory_space<hbm>>
      %dma_start3A_38 = tpu.memref_slice %arg6[%add3A_17] : memref<330240xi32, #tpu.memory_space<hbm>> -> memref<120xi32, #tpu.memory_space<hbm>>
      tpu.enqueue_dma source(%dma_start3A_38 : memref<120xi32, #tpu.memory_space<hbm>>) target(%arg11 : memref<120xi32, #tpu.memory_space<vmem>>) target_semaphore(%run_scoped3A : memref<!tpu.dma_semaphore, #tpu.memory_space<semaphore_mem>>)
      %dma_wait3A = tpu.memref_slice %arg6[%add3A_17] : memref<330240xi32, #tpu.memory_space<hbm>> -> memref<120xi32, #tpu.memory_space<hbm>>
      %dma_wait3A_39 = tpu.memref_slice %arg6[%add3A_17] : memref<330240xi32, #tpu.memory_space<hbm>> -> memref<120xi32, #tpu.memory_space<hbm>>
      tpu.wait_dma2 semaphore(%run_scoped3A : memref<!tpu.dma_semaphore, #tpu.memory_space<semaphore_mem>>) src(%dma_wait3A_39 : memref<120xi32, #tpu.memory_space<hbm>>) dst(%arg11 : memref<120xi32, #tpu.memory_space<vmem>>)
      tpu.yield
    }) : () -> ()
    %dma_start3A = arith.constant 0 : i32
    %dma_start3A_18 = arith.constant 0 : i32
    %dma_start3A_19 = tpu.memref_slice %arg2[%dma_start3A, %dma_start3A_18] : memref<10001x80xf32, #tpu.memory_space<hbm>> -> memref<10001x80xf32, #tpu.memory_space<hbm>>
    tpu.enqueue_indirect_dma source(%dma_start3A_19 : memref<10001x80xf32, #tpu.memory_space<hbm>>) target(%arg13 : memref<120x80xf32, #tpu.memory_space<vmem>>) offsets(%arg9 : memref<120xi32, #tpu.memory_space<vmem>>) semaphore(%arg19 : memref<!tpu.dma_semaphore, #tpu.memory_space<semaphore_mem>>)
    %dma_start3A_20 = arith.constant 0 : i32
    %dma_start3A_21 = arith.constant 0 : i32
    %dma_start3A_22 = tpu.memref_slice %arg3[%dma_start3A_20, %dma_start3A_21] : memref<10000x16xf32, #tpu.memory_space<hbm>> -> memref<10000x16xf32, #tpu.memory_space<hbm>>
    tpu.enqueue_indirect_dma source(%dma_start3A_22 : memref<10000x16xf32, #tpu.memory_space<hbm>>) target(%arg15 : memref<120x16xf32, #tpu.memory_space<vmem>>) offsets(%arg11 : memref<120xi32, #tpu.memory_space<vmem>>) semaphore(%arg21 : memref<!tpu.dma_semaphore, #tpu.memory_space<semaphore_mem>>)
    %scan3A = arith.constant 0 : i32
    %scan3A_23 = arith.constant 43 : i32
    %scan3A_24 = arith.addi %scan3A, %scan3A_23 : i32
    %scan3A_25 = arith.constant 1 : i32
    scf.for %scan3A_37 = %scan3A to %scan3A_24 step %scan3A_25  : i32 {
      %mul3A_38 = arith.constant 1 : i32
      %mul3A_39 = arith.muli %scan3A_37, %mul3A_38 : i32
      %add3A_40 = arith.constant 0 : i32
      %add3A_41 = arith.addi %add3A_40, %mul3A_39 : i32
      %mul3A_42 = arith.constant 2 : i32
      %mul3A_43 = arith.muli %add3A_41, %mul3A_42 : i32
      %add3A_44 = arith.constant 0 : i32
      %add3A_45 = arith.addi %mul3A_43, %add3A_44 : i32
      %add3A_46 = arith.constant 1 : i32
      %add3A_47 = arith.addi %add3A_45, %add3A_46 : i32
      %lt3A = arith.constant 86 : i32
      %lt3A_48 = arith.cmpi slt, %add3A_47, %lt3A : i32
      %convert_element_type3A_49 = arith.extui %lt3A_48 : i1 to i32
      %cond3A_50 = arith.constant 0 : i32
      %cond3A_51 = arith.cmpi ne, %convert_element_type3A_49, %cond3A_50 : i32
      scf.if %cond3A_51 {
        %add3A_84 = arith.constant 1 : i32
        %add3A_85 = arith.addi %add3A_45, %add3A_84 : i32
        %mul3A_86 = arith.constant 120 : i32
        %mul3A_87 = arith.muli %add3A_85, %mul3A_86 : i32
        %add3A_88 = arith.addi %mul3A_15, %mul3A_87 : i32
        "tpu.region"() ({
          %run_scoped3A = tpu.sem_alloc : memref<!tpu.dma_semaphore, #tpu.memory_space<semaphore_mem>>
          %dma_start3A_95 = tpu.memref_slice %arg5[%add3A_88] : memref<330240xi32, #tpu.memory_space<hbm>> -> memref<120xi32, #tpu.memory_space<hbm>>
          %dma_start3A_96 = tpu.memref_slice %arg5[%add3A_88] : memref<330240xi32, #tpu.memory_space<hbm>> -> memref<120xi32, #tpu.memory_space<hbm>>
          tpu.enqueue_dma source(%dma_start3A_96 : memref<120xi32, #tpu.memory_space<hbm>>) target(%arg10 : memref<120xi32, #tpu.memory_space<vmem>>) target_semaphore(%run_scoped3A : memref<!tpu.dma_semaphore, #tpu.memory_space<semaphore_mem>>)
          %dma_wait3A_97 = tpu.memref_slice %arg5[%add3A_88] : memref<330240xi32, #tpu.memory_space<hbm>> -> memref<120xi32, #tpu.memory_space<hbm>>
          %dma_wait3A_98 = tpu.memref_slice %arg5[%add3A_88] : memref<330240xi32, #tpu.memory_space<hbm>> -> memref<120xi32, #tpu.memory_space<hbm>>
          tpu.wait_dma2 semaphore(%run_scoped3A : memref<!tpu.dma_semaphore, #tpu.memory_space<semaphore_mem>>) src(%dma_wait3A_98 : memref<120xi32, #tpu.memory_space<hbm>>) dst(%arg10 : memref<120xi32, #tpu.memory_space<vmem>>)
          tpu.yield
        }) : () -> ()
        "tpu.region"() ({
          %run_scoped3A = tpu.sem_alloc : memref<!tpu.dma_semaphore, #tpu.memory_space<semaphore_mem>>
          %dma_start3A_95 = tpu.memref_slice %arg6[%add3A_88] : memref<330240xi32, #tpu.memory_space<hbm>> -> memref<120xi32, #tpu.memory_space<hbm>>
          %dma_start3A_96 = tpu.memref_slice %arg6[%add3A_88] : memref<330240xi32, #tpu.memory_space<hbm>> -> memref<120xi32, #tpu.memory_space<hbm>>
          tpu.enqueue_dma source(%dma_start3A_96 : memref<120xi32, #tpu.memory_space<hbm>>) target(%arg12 : memref<120xi32, #tpu.memory_space<vmem>>) target_semaphore(%run_scoped3A : memref<!tpu.dma_semaphore, #tpu.memory_space<semaphore_mem>>)
          %dma_wait3A_97 = tpu.memref_slice %arg6[%add3A_88] : memref<330240xi32, #tpu.memory_space<hbm>> -> memref<120xi32, #tpu.memory_space<hbm>>
          %dma_wait3A_98 = tpu.memref_slice %arg6[%add3A_88] : memref<330240xi32, #tpu.memory_space<hbm>> -> memref<120xi32, #tpu.memory_space<hbm>>
          tpu.wait_dma2 semaphore(%run_scoped3A : memref<!tpu.dma_semaphore, #tpu.memory_space<semaphore_mem>>) src(%dma_wait3A_98 : memref<120xi32, #tpu.memory_space<hbm>>) dst(%arg12 : memref<120xi32, #tpu.memory_space<vmem>>)
          tpu.yield
        }) : () -> ()
        %dma_start3A_89 = arith.constant 0 : i32
        %dma_start3A_90 = arith.constant 0 : i32
        %dma_start3A_91 = tpu.memref_slice %arg2[%dma_start3A_89, %dma_start3A_90] : memref<10001x80xf32, #tpu.memory_space<hbm>> -> memref<10001x80xf32, #tpu.memory_space<hbm>>
        tpu.enqueue_indirect_dma source(%dma_start3A_91 : memref<10001x80xf32, #tpu.memory_space<hbm>>) target(%arg14 : memref<120x80xf32, #tpu.memory_space<vmem>>) offsets(%arg10 : memref<120xi32, #tpu.memory_space<vmem>>) semaphore(%arg20 : memref<!tpu.dma_semaphore, #tpu.memory_space<semaphore_mem>>)
        %dma_start3A_92 = arith.constant 0 : i32
        %dma_start3A_93 = arith.constant 0 : i32
        %dma_start3A_94 = tpu.memref_slice %arg3[%dma_start3A_92, %dma_start3A_93] : memref<10000x16xf32, #tpu.memory_space<hbm>> -> memref<10000x16xf32, #tpu.memory_space<hbm>>
        tpu.enqueue_indirect_dma source(%dma_start3A_94 : memref<10000x16xf32, #tpu.memory_space<hbm>>) target(%arg16 : memref<120x16xf32, #tpu.memory_space<vmem>>) offsets(%arg12 : memref<120xi32, #tpu.memory_space<vmem>>) semaphore(%arg22 : memref<!tpu.dma_semaphore, #tpu.memory_space<semaphore_mem>>)
      } else {
      }
      %dma_wait3A = arith.constant 0 : i32
      %dma_wait3A_52 = arith.constant 0 : i32
      %dma_wait3A_53 = tpu.memref_slice %arg2[%dma_wait3A, %dma_wait3A_52] : memref<10001x80xf32, #tpu.memory_space<hbm>> -> memref<10001x80xf32, #tpu.memory_space<hbm>>
      tpu.wait_indirect_dma semaphore(%arg19 : memref<!tpu.dma_semaphore, #tpu.memory_space<semaphore_mem>>) src(%dma_wait3A_53 : memref<10001x80xf32, #tpu.memory_space<hbm>>) dst(%arg13 : memref<120x80xf32, #tpu.memory_space<vmem>>)
      %dma_wait3A_54 = arith.constant 0 : i32
      %dma_wait3A_55 = arith.constant 0 : i32
      %dma_wait3A_56 = tpu.memref_slice %arg3[%dma_wait3A_54, %dma_wait3A_55] : memref<10000x16xf32, #tpu.memory_space<hbm>> -> memref<10000x16xf32, #tpu.memory_space<hbm>>
      tpu.wait_indirect_dma semaphore(%arg21 : memref<!tpu.dma_semaphore, #tpu.memory_space<semaphore_mem>>) src(%dma_wait3A_56 : memref<10000x16xf32, #tpu.memory_space<hbm>>) dst(%arg15 : memref<120x16xf32, #tpu.memory_space<vmem>>)
      %scan3A_57 = arith.constant 0 : i32
      %scan3A_58 = arith.constant 120 : i32
      %scan3A_59 = arith.addi %scan3A_57, %scan3A_58 : i32
      %scan3A_60 = arith.constant 1 : i32
      scf.for %scan3A_84 = %scan3A_57 to %scan3A_59 step %scan3A_60  : i32 {
        %mul3A_85 = arith.constant 1 : i32
        %mul3A_86 = arith.muli %scan3A_84, %mul3A_85 : i32
        %add3A_87 = arith.constant 0 : i32
        %add3A_88 = arith.addi %add3A_87, %mul3A_86 : i32
        %get3A_89 = arith.index_cast %add3A_88 : i32 to index
        %get3A_90 = arith.constant 64 : index
        %get3A_91 = tpu.vector_load %arg13[%get3A_89, %get3A_90] {strides = array<i32>} : memref<120x80xf32, #tpu.memory_space<vmem>>, vector<1x16xf32>,
        %get3A_92 = vector.shape_cast %get3A_91 : vector<1x16xf32> to vector<16xf32>
        %get3A_93 = arith.index_cast %add3A_88 : i32 to index
        %get3A_94 = arith.constant 0 : index
        %get3A_95 = tpu.vector_load %arg15[%get3A_93, %get3A_94] {strides = array<i32>} : memref<120x16xf32, #tpu.memory_space<vmem>>, vector<1x16xf32>,
        %get3A_96 = vector.shape_cast %get3A_95 : vector<1x16xf32> to vector<16xf32>
        %add3A_97 = arith.addf %get3A_96, %get3A_8 : vector<16xf32>
        %add3A_98 = arith.addf %get3A_92, %add3A_97 : vector<16xf32>
        %gt3A = arith.constant 0.000000e+00 : f32
        %gt3A_99 = vector.broadcast %gt3A : f32 to vector<16xf32>
        %gt3A_100 = arith.cmpf ogt, %add3A_98, %gt3A_99 : vector<16xf32>
        %mul3A_101 = arith.constant 2.000000e-01 : f32
        %mul3A_102 = vector.broadcast %mul3A_101 : f32 to vector<16xf32>
        %mul3A_103 = arith.mulf %add3A_98, %mul3A_102 : vector<16xf32>
        %select_n3A = arith.select %gt3A_100, %add3A_98, %mul3A_103 : vector<16xi1>, vector<16xf32>
        %broadcast_in_dim3A = vector.shape_cast %add3A_13 : vector<16xi32> to vector<16x1xi32>
        %gather3A = vector.shape_cast %broadcast_in_dim3A : vector<16x1xi32> to vector<16xi32>
        %gather3A_104 = tpu.dynamic_gather %select_n3A[%gather3A] in [0] : vector<16xf32>, vector<16xi32> -> vector<16xf32>
        %sub3A = arith.subf %select_n3A, %gather3A_104 : vector<16xf32>
        %exp3A = math.exp %sub3A : vector<16xf32>
        %swap3A = arith.index_cast %add3A_88 : i32 to index
        %swap3A_105 = arith.constant 64 : index
        %swap3A_106 = tpu.vector_load %arg13[%swap3A, %swap3A_105] {strides = array<i32>} : memref<120x80xf32, #tpu.memory_space<vmem>>, vector<1x16xf32>,
        %swap3A_107 = vector.shape_cast %swap3A_106 : vector<1x16xf32> to vector<16xf32>
        %swap3A_108 = vector.shape_cast %exp3A : vector<16xf32> to vector<1x16xf32>
        tpu.vector_store %arg13[%swap3A, %swap3A_105], %swap3A_108 {strides = array<i32>} : memref<120x80xf32, #tpu.memory_space<vmem>>, vector<1x16xf32>,
        %broadcast_in_dim3A_109 = arith.constant 0 : i32
        %broadcast_in_dim3A_110 = vector.broadcast %broadcast_in_dim3A_109 : i32 to vector<16xi32>
        %broadcast_in_dim3A_111 = vector.shape_cast %broadcast_in_dim3A_110 : vector<16xi32> to vector<16x1xi32>
        %gather3A_112 = vector.shape_cast %broadcast_in_dim3A_111 : vector<16x1xi32> to vector<16xi32>
        %gather3A_113 = tpu.dynamic_gather %exp3A[%gather3A_112] in [0] : vector<16xf32>, vector<16xi32> -> vector<16xf32>
        %get3A_114 = arith.index_cast %add3A_88 : i32 to index
        %get3A_115 = arith.constant 0 : index
        %get3A_116 = tpu.vector_load %arg13[%get3A_114, %get3A_115] {strides = array<i32>} : memref<120x80xf32, #tpu.memory_space<vmem>>, vector<1x16xf32>,
        %get3A_117 = vector.shape_cast %get3A_116 : vector<1x16xf32> to vector<16xf32>
        %mul3A_118 = arith.mulf %get3A_117, %gather3A_113 : vector<16xf32>
        %swap3A_119 = arith.index_cast %add3A_88 : i32 to index
        %swap3A_120 = arith.constant 0 : index
        %swap3A_121 = tpu.vector_load %arg13[%swap3A_119, %swap3A_120] {strides = array<i32>} : memref<120x80xf32, #tpu.memory_space<vmem>>, vector<1x16xf32>,
        %swap3A_122 = vector.shape_cast %swap3A_121 : vector<1x16xf32> to vector<16xf32>
        %swap3A_123 = vector.shape_cast %mul3A_118 : vector<16xf32> to vector<1x16xf32>
        tpu.vector_store %arg13[%swap3A_119, %swap3A_120], %swap3A_123 {strides = array<i32>} : memref<120x80xf32, #tpu.memory_space<vmem>>, vector<1x16xf32>,
        %broadcast_in_dim3A_124 = arith.constant 0 : i32
        %broadcast_in_dim3A_125 = vector.broadcast %broadcast_in_dim3A_124 : i32 to vector<16xi32>
        %broadcast_in_dim3A_126 = vector.shape_cast %broadcast_in_dim3A_125 : vector<16xi32> to vector<16x1xi32>
        %gather3A_127 = vector.shape_cast %broadcast_in_dim3A_126 : vector<16x1xi32> to vector<16xi32>
        %gather3A_128 = tpu.dynamic_gather %exp3A[%gather3A_127] in [0] : vector<16xf32>, vector<16xi32> -> vector<16xf32>
        %get3A_129 = arith.index_cast %add3A_88 : i32 to index
        %get3A_130 = arith.constant 16 : index
        %get3A_131 = tpu.vector_load %arg13[%get3A_129, %get3A_130] {strides = array<i32>} : memref<120x80xf32, #tpu.memory_space<vmem>>, vector<1x16xf32>,
        %get3A_132 = vector.shape_cast %get3A_131 : vector<1x16xf32> to vector<16xf32>
        %mul3A_133 = arith.mulf %get3A_132, %gather3A_128 : vector<16xf32>
        %swap3A_134 = arith.index_cast %add3A_88 : i32 to index
        %swap3A_135 = arith.constant 16 : index
        %swap3A_136 = tpu.vector_load %arg13[%swap3A_134, %swap3A_135] {strides = array<i32>} : memref<120x80xf32, #tpu.memory_space<vmem>>, vector<1x16xf32>,
        %swap3A_137 = vector.shape_cast %swap3A_136 : vector<1x16xf32> to vector<16xf32>
        %swap3A_138 = vector.shape_cast %mul3A_133 : vector<16xf32> to vector<1x16xf32>
        tpu.vector_store %arg13[%swap3A_134, %swap3A_135], %swap3A_138 {strides = array<i32>} : memref<120x80xf32, #tpu.memory_space<vmem>>, vector<1x16xf32>,
        %broadcast_in_dim3A_139 = arith.constant 0 : i32
        %broadcast_in_dim3A_140 = vector.broadcast %broadcast_in_dim3A_139 : i32 to vector<16xi32>
        %broadcast_in_dim3A_141 = vector.shape_cast %broadcast_in_dim3A_140 : vector<16xi32> to vector<16x1xi32>
        %gather3A_142 = vector.shape_cast %broadcast_in_dim3A_141 : vector<16x1xi32> to vector<16xi32>
        %gather3A_143 = tpu.dynamic_gather %exp3A[%gather3A_142] in [0] : vector<16xf32>, vector<16xi32> -> vector<16xf32>
        %get3A_144 = arith.index_cast %add3A_88 : i32 to index
        %get3A_145 = arith.constant 32 : index
        %get3A_146 = tpu.vector_load %arg13[%get3A_144, %get3A_145] {strides = array<i32>} : memref<120x80xf32, #tpu.memory_space<vmem>>, vector<1x16xf32>,
        %get3A_147 = vector.shape_cast %get3A_146 : vector<1x16xf32> to vector<16xf32>
        %mul3A_148 = arith.mulf %get3A_147, %gather3A_143 : vector<16xf32>
        %swap3A_149 = arith.index_cast %add3A_88 : i32 to index
        %swap3A_150 = arith.constant 32 : index
        %swap3A_151 = tpu.vector_load %arg13[%swap3A_149, %swap3A_150] {strides = array<i32>} : memref<120x80xf32, #tpu.memory_space<vmem>>, vector<1x16xf32>,
        %swap3A_152 = vector.shape_cast %swap3A_151 : vector<1x16xf32> to vector<16xf32>
        %swap3A_153 = vector.shape_cast %mul3A_148 : vector<16xf32> to vector<1x16xf32>
        tpu.vector_store %arg13[%swap3A_149, %swap3A_150], %swap3A_153 {strides = array<i32>} : memref<120x80xf32, #tpu.memory_space<vmem>>, vector<1x16xf32>,
        %broadcast_in_dim3A_154 = arith.constant 0 : i32
        %broadcast_in_dim3A_155 = vector.broadcast %broadcast_in_dim3A_154 : i32 to vector<16xi32>
        %broadcast_in_dim3A_156 = vector.shape_cast %broadcast_in_dim3A_155 : vector<16xi32> to vector<16x1xi32>
        %gather3A_157 = vector.shape_cast %broadcast_in_dim3A_156 : vector<16x1xi32> to vector<16xi32>
        %gather3A_158 = tpu.dynamic_gather %exp3A[%gather3A_157] in [0] : vector<16xf32>, vector<16xi32> -> vector<16xf32>
        %get3A_159 = arith.index_cast %add3A_88 : i32 to index
        %get3A_160 = arith.constant 48 : index
        %get3A_161 = tpu.vector_load %arg13[%get3A_159, %get3A_160] {strides = array<i32>} : memref<120x80xf32, #tpu.memory_space<vmem>>, vector<1x16xf32>,
        %get3A_162 = vector.shape_cast %get3A_161 : vector<1x16xf32> to vector<16xf32>
        %mul3A_163 = arith.mulf %get3A_162, %gather3A_158 : vector<16xf32>
        %swap3A_164 = arith.index_cast %add3A_88 : i32 to index
        %swap3A_165 = arith.constant 48 : index
        %swap3A_166 = tpu.vector_load %arg13[%swap3A_164, %swap3A_165] {strides = array<i32>} : memref<120x80xf32, #tpu.memory_space<vmem>>, vector<1x16xf32>,
        %swap3A_167 = vector.shape_cast %swap3A_166 : vector<1x16xf32> to vector<16xf32>
        %swap3A_168 = vector.shape_cast %mul3A_163 : vector<16xf32> to vector<1x16xf32>
        tpu.vector_store %arg13[%swap3A_164, %swap3A_165], %swap3A_168 {strides = array<i32>} : memref<120x80xf32, #tpu.memory_space<vmem>>, vector<1x16xf32>,
      }
      %scan3A_61 = arith.constant 120 : i32
      "tpu.region"() ({
        %run_scoped3A = tpu.sem_alloc : memref<!tpu.dma_semaphore, #tpu.memory_space<semaphore_mem>>
        %dma_start3A_84 = arith.constant 0 : i32
        %dma_start3A_85 = arith.constant 0 : i32
        %dma_start3A_86 = tpu.memref_slice %arg18[%dma_start3A_84, %dma_start3A_85] : memref<10000x80xf32, #tpu.memory_space<vmem_shared>> -> memref<10000x80xf32, #tpu.memory_space<vmem_shared>>
        tpu.enqueue_indirect_dma source(%arg13 : memref<120x80xf32, #tpu.memory_space<vmem>>) target(%dma_start3A_86 : memref<10000x80xf32, #tpu.memory_space<vmem_shared>>) offsets(%arg11 : memref<120xi32, #tpu.memory_space<vmem>>) semaphore(%run_scoped3A : memref<!tpu.dma_semaphore, #tpu.memory_space<semaphore_mem>>) {add = true}
        %dma_wait3A_87 = arith.constant 0 : i32
        %dma_wait3A_88 = arith.constant 0 : i32
        %dma_wait3A_89 = tpu.memref_slice %arg18[%dma_wait3A_87, %dma_wait3A_88] : memref<10000x80xf32, #tpu.memory_space<vmem_shared>> -> memref<10000x80xf32, #tpu.memory_space<vmem_shared>>
        tpu.wait_indirect_dma semaphore(%run_scoped3A : memref<!tpu.dma_semaphore, #tpu.memory_space<semaphore_mem>>) src(%arg13 : memref<120x80xf32, #tpu.memory_space<vmem>>) dst(%dma_wait3A_89 : memref<10000x80xf32, #tpu.memory_space<vmem_shared>>)
        tpu.yield
      }) : () -> ()
      %mul3A_62 = arith.constant 2 : i32
      %mul3A_63 = arith.muli %add3A_41, %mul3A_62 : i32
      %add3A_64 = arith.constant 1 : i32
      %add3A_65 = arith.addi %mul3A_63, %add3A_64 : i32
      %add3A_66 = arith.constant 1 : i32
      %add3A_67 = arith.addi %add3A_65, %add3A_66 : i32
      %lt3A_68 = arith.constant 86 : i32
      %lt3A_69 = arith.cmpi slt, %add3A_67, %lt3A_68 : i32
      %convert_element_type3A_70 = arith.extui %lt3A_69 : i1 to i32
      %cond3A_71 = arith.constant 0 : i32
      %cond3A_72 = arith.cmpi ne, %convert_element_type3A_70, %cond3A_71 : i32
      scf.if %cond3A_72 {
        %add3A_84 = arith.constant 1 : i32
        %add3A_85 = arith.addi %add3A_65, %add3A_84 : i32
        %mul3A_86 = arith.constant 120 : i32
        %mul3A_87 = arith.muli %add3A_85, %mul3A_86 : i32
        %add3A_88 = arith.addi %mul3A_15, %mul3A_87 : i32
        "tpu.region"() ({
          %run_scoped3A = tpu.sem_alloc : memref<!tpu.dma_semaphore, #tpu.memory_space<semaphore_mem>>
          %dma_start3A_95 = tpu.memref_slice %arg5[%add3A_88] : memref<330240xi32, #tpu.memory_space<hbm>> -> memref<120xi32, #tpu.memory_space<hbm>>
          %dma_start3A_96 = tpu.memref_slice %arg5[%add3A_88] : memref<330240xi32, #tpu.memory_space<hbm>> -> memref<120xi32, #tpu.memory_space<hbm>>
          tpu.enqueue_dma source(%dma_start3A_96 : memref<120xi32, #tpu.memory_space<hbm>>) target(%arg9 : memref<120xi32, #tpu.memory_space<vmem>>) target_semaphore(%run_scoped3A : memref<!tpu.dma_semaphore, #tpu.memory_space<semaphore_mem>>)
          %dma_wait3A_97 = tpu.memref_slice %arg5[%add3A_88] : memref<330240xi32, #tpu.memory_space<hbm>> -> memref<120xi32, #tpu.memory_space<hbm>>
          %dma_wait3A_98 = tpu.memref_slice %arg5[%add3A_88] : memref<330240xi32, #tpu.memory_space<hbm>> -> memref<120xi32, #tpu.memory_space<hbm>>
          tpu.wait_dma2 semaphore(%run_scoped3A : memref<!tpu.dma_semaphore, #tpu.memory_space<semaphore_mem>>) src(%dma_wait3A_98 : memref<120xi32, #tpu.memory_space<hbm>>) dst(%arg9 : memref<120xi32, #tpu.memory_space<vmem>>)
          tpu.yield
        }) : () -> ()
        "tpu.region"() ({
          %run_scoped3A = tpu.sem_alloc : memref<!tpu.dma_semaphore, #tpu.memory_space<semaphore_mem>>
          %dma_start3A_95 = tpu.memref_slice %arg6[%add3A_88] : memref<330240xi32, #tpu.memory_space<hbm>> -> memref<120xi32, #tpu.memory_space<hbm>>
          %dma_start3A_96 = tpu.memref_slice %arg6[%add3A_88] : memref<330240xi32, #tpu.memory_space<hbm>> -> memref<120xi32, #tpu.memory_space<hbm>>
          tpu.enqueue_dma source(%dma_start3A_96 : memref<120xi32, #tpu.memory_space<hbm>>) target(%arg11 : memref<120xi32, #tpu.memory_space<vmem>>) target_semaphore(%run_scoped3A : memref<!tpu.dma_semaphore, #tpu.memory_space<semaphore_mem>>)
          %dma_wait3A_97 = tpu.memref_slice %arg6[%add3A_88] : memref<330240xi32, #tpu.memory_space<hbm>> -> memref<120xi32, #tpu.memory_space<hbm>>
          %dma_wait3A_98 = tpu.memref_slice %arg6[%add3A_88] : memref<330240xi32, #tpu.memory_space<hbm>> -> memref<120xi32, #tpu.memory_space<hbm>>
          tpu.wait_dma2 semaphore(%run_scoped3A : memref<!tpu.dma_semaphore, #tpu.memory_space<semaphore_mem>>) src(%dma_wait3A_98 : memref<120xi32, #tpu.memory_space<hbm>>) dst(%arg11 : memref<120xi32, #tpu.memory_space<vmem>>)
          tpu.yield
        }) : () -> ()
        %dma_start3A_89 = arith.constant 0 : i32
        %dma_start3A_90 = arith.constant 0 : i32
        %dma_start3A_91 = tpu.memref_slice %arg2[%dma_start3A_89, %dma_start3A_90] : memref<10001x80xf32, #tpu.memory_space<hbm>> -> memref<10001x80xf32, #tpu.memory_space<hbm>>
        tpu.enqueue_indirect_dma source(%dma_start3A_91 : memref<10001x80xf32, #tpu.memory_space<hbm>>) target(%arg13 : memref<120x80xf32, #tpu.memory_space<vmem>>) offsets(%arg9 : memref<120xi32, #tpu.memory_space<vmem>>) semaphore(%arg19 : memref<!tpu.dma_semaphore, #tpu.memory_space<semaphore_mem>>)
        %dma_start3A_92 = arith.constant 0 : i32
        %dma_start3A_93 = arith.constant 0 : i32
        %dma_start3A_94 = tpu.memref_slice %arg3[%dma_start3A_92, %dma_start3A_93] : memref<10000x16xf32, #tpu.memory_space<hbm>> -> memref<10000x16xf32, #tpu.memory_space<hbm>>
        tpu.enqueue_indirect_dma source(%dma_start3A_94 : memref<10000x16xf32, #tpu.memory_space<hbm>>) target(%arg15 : memref<120x16xf32, #tpu.memory_space<vmem>>) offsets(%arg11 : memref<120xi32, #tpu.memory_space<vmem>>) semaphore(%arg21 : memref<!tpu.dma_semaphore, #tpu.memory_space<semaphore_mem>>)
      } else {
      }
      %dma_wait3A_73 = arith.constant 0 : i32
      %dma_wait3A_74 = arith.constant 0 : i32
      %dma_wait3A_75 = tpu.memref_slice %arg2[%dma_wait3A_73, %dma_wait3A_74] : memref<10001x80xf32, #tpu.memory_space<hbm>> -> memref<10001x80xf32, #tpu.memory_space<hbm>>
      tpu.wait_indirect_dma semaphore(%arg20 : memref<!tpu.dma_semaphore, #tpu.memory_space<semaphore_mem>>) src(%dma_wait3A_75 : memref<10001x80xf32, #tpu.memory_space<hbm>>) dst(%arg14 : memref<120x80xf32, #tpu.memory_space<vmem>>)
      %dma_wait3A_76 = arith.constant 0 : i32
      %dma_wait3A_77 = arith.constant 0 : i32
      %dma_wait3A_78 = tpu.memref_slice %arg3[%dma_wait3A_76, %dma_wait3A_77] : memref<10000x16xf32, #tpu.memory_space<hbm>> -> memref<10000x16xf32, #tpu.memory_space<hbm>>
      tpu.wait_indirect_dma semaphore(%arg22 : memref<!tpu.dma_semaphore, #tpu.memory_space<semaphore_mem>>) src(%dma_wait3A_78 : memref<10000x16xf32, #tpu.memory_space<hbm>>) dst(%arg16 : memref<120x16xf32, #tpu.memory_space<vmem>>)
      %scan3A_79 = arith.constant 0 : i32
      %scan3A_80 = arith.constant 120 : i32
      %scan3A_81 = arith.addi %scan3A_79, %scan3A_80 : i32
      %scan3A_82 = arith.constant 1 : i32
      scf.for %scan3A_84 = %scan3A_79 to %scan3A_81 step %scan3A_82  : i32 {
        %mul3A_85 = arith.constant 1 : i32
        %mul3A_86 = arith.muli %scan3A_84, %mul3A_85 : i32
        %add3A_87 = arith.constant 0 : i32
        %add3A_88 = arith.addi %add3A_87, %mul3A_86 : i32
        %get3A_89 = arith.index_cast %add3A_88 : i32 to index
        %get3A_90 = arith.constant 64 : index
        %get3A_91 = tpu.vector_load %arg14[%get3A_89, %get3A_90] {strides = array<i32>} : memref<120x80xf32, #tpu.memory_space<vmem>>, vector<1x16xf32>,
        %get3A_92 = vector.shape_cast %get3A_91 : vector<1x16xf32> to vector<16xf32>
        %get3A_93 = arith.index_cast %add3A_88 : i32 to index
        %get3A_94 = arith.constant 0 : index
        %get3A_95 = tpu.vector_load %arg16[%get3A_93, %get3A_94] {strides = array<i32>} : memref<120x16xf32, #tpu.memory_space<vmem>>, vector<1x16xf32>,
        %get3A_96 = vector.shape_cast %get3A_95 : vector<1x16xf32> to vector<16xf32>
        %add3A_97 = arith.addf %get3A_96, %get3A_8 : vector<16xf32>
        %add3A_98 = arith.addf %get3A_92, %add3A_97 : vector<16xf32>
        %gt3A = arith.constant 0.000000e+00 : f32
        %gt3A_99 = vector.broadcast %gt3A : f32 to vector<16xf32>
        %gt3A_100 = arith.cmpf ogt, %add3A_98, %gt3A_99 : vector<16xf32>
        %mul3A_101 = arith.constant 2.000000e-01 : f32
        %mul3A_102 = vector.broadcast %mul3A_101 : f32 to vector<16xf32>
        %mul3A_103 = arith.mulf %add3A_98, %mul3A_102 : vector<16xf32>
        %select_n3A = arith.select %gt3A_100, %add3A_98, %mul3A_103 : vector<16xi1>, vector<16xf32>
        %broadcast_in_dim3A = vector.shape_cast %add3A_13 : vector<16xi32> to vector<16x1xi32>
        %gather3A = vector.shape_cast %broadcast_in_dim3A : vector<16x1xi32> to vector<16xi32>
        %gather3A_104 = tpu.dynamic_gather %select_n3A[%gather3A] in [0] : vector<16xf32>, vector<16xi32> -> vector<16xf32>
        %sub3A = arith.subf %select_n3A, %gather3A_104 : vector<16xf32>
        %exp3A = math.exp %sub3A : vector<16xf32>
        %swap3A = arith.index_cast %add3A_88 : i32 to index
        %swap3A_105 = arith.constant 64 : index
        %swap3A_106 = tpu.vector_load %arg14[%swap3A, %swap3A_105] {strides = array<i32>} : memref<120x80xf32, #tpu.memory_space<vmem>>, vector<1x16xf32>,
        %swap3A_107 = vector.shape_cast %swap3A_106 : vector<1x16xf32> to vector<16xf32>
        %swap3A_108 = vector.shape_cast %exp3A : vector<16xf32> to vector<1x16xf32>
        tpu.vector_store %arg14[%swap3A, %swap3A_105], %swap3A_108 {strides = array<i32>} : memref<120x80xf32, #tpu.memory_space<vmem>>, vector<1x16xf32>,
        %broadcast_in_dim3A_109 = arith.constant 0 : i32
        %broadcast_in_dim3A_110 = vector.broadcast %broadcast_in_dim3A_109 : i32 to vector<16xi32>
        %broadcast_in_dim3A_111 = vector.shape_cast %broadcast_in_dim3A_110 : vector<16xi32> to vector<16x1xi32>
        %gather3A_112 = vector.shape_cast %broadcast_in_dim3A_111 : vector<16x1xi32> to vector<16xi32>
        %gather3A_113 = tpu.dynamic_gather %exp3A[%gather3A_112] in [0] : vector<16xf32>, vector<16xi32> -> vector<16xf32>
        %get3A_114 = arith.index_cast %add3A_88 : i32 to index
        %get3A_115 = arith.constant 0 : index
        %get3A_116 = tpu.vector_load %arg14[%get3A_114, %get3A_115] {strides = array<i32>} : memref<120x80xf32, #tpu.memory_space<vmem>>, vector<1x16xf32>,
        %get3A_117 = vector.shape_cast %get3A_116 : vector<1x16xf32> to vector<16xf32>
        %mul3A_118 = arith.mulf %get3A_117, %gather3A_113 : vector<16xf32>
        %swap3A_119 = arith.index_cast %add3A_88 : i32 to index
        %swap3A_120 = arith.constant 0 : index
        %swap3A_121 = tpu.vector_load %arg14[%swap3A_119, %swap3A_120] {strides = array<i32>} : memref<120x80xf32, #tpu.memory_space<vmem>>, vector<1x16xf32>,
        %swap3A_122 = vector.shape_cast %swap3A_121 : vector<1x16xf32> to vector<16xf32>
        %swap3A_123 = vector.shape_cast %mul3A_118 : vector<16xf32> to vector<1x16xf32>
        tpu.vector_store %arg14[%swap3A_119, %swap3A_120], %swap3A_123 {strides = array<i32>} : memref<120x80xf32, #tpu.memory_space<vmem>>, vector<1x16xf32>,
        %broadcast_in_dim3A_124 = arith.constant 0 : i32
        %broadcast_in_dim3A_125 = vector.broadcast %broadcast_in_dim3A_124 : i32 to vector<16xi32>
        %broadcast_in_dim3A_126 = vector.shape_cast %broadcast_in_dim3A_125 : vector<16xi32> to vector<16x1xi32>
        %gather3A_127 = vector.shape_cast %broadcast_in_dim3A_126 : vector<16x1xi32> to vector<16xi32>
        %gather3A_128 = tpu.dynamic_gather %exp3A[%gather3A_127] in [0] : vector<16xf32>, vector<16xi32> -> vector<16xf32>
        %get3A_129 = arith.index_cast %add3A_88 : i32 to index
        %get3A_130 = arith.constant 16 : index
        %get3A_131 = tpu.vector_load %arg14[%get3A_129, %get3A_130] {strides = array<i32>} : memref<120x80xf32, #tpu.memory_space<vmem>>, vector<1x16xf32>,
        %get3A_132 = vector.shape_cast %get3A_131 : vector<1x16xf32> to vector<16xf32>
        %mul3A_133 = arith.mulf %get3A_132, %gather3A_128 : vector<16xf32>
        %swap3A_134 = arith.index_cast %add3A_88 : i32 to index
        %swap3A_135 = arith.constant 16 : index
        %swap3A_136 = tpu.vector_load %arg14[%swap3A_134, %swap3A_135] {strides = array<i32>} : memref<120x80xf32, #tpu.memory_space<vmem>>, vector<1x16xf32>,
        %swap3A_137 = vector.shape_cast %swap3A_136 : vector<1x16xf32> to vector<16xf32>
        %swap3A_138 = vector.shape_cast %mul3A_133 : vector<16xf32> to vector<1x16xf32>
        tpu.vector_store %arg14[%swap3A_134, %swap3A_135], %swap3A_138 {strides = array<i32>} : memref<120x80xf32, #tpu.memory_space<vmem>>, vector<1x16xf32>,
        %broadcast_in_dim3A_139 = arith.constant 0 : i32
        %broadcast_in_dim3A_140 = vector.broadcast %broadcast_in_dim3A_139 : i32 to vector<16xi32>
        %broadcast_in_dim3A_141 = vector.shape_cast %broadcast_in_dim3A_140 : vector<16xi32> to vector<16x1xi32>
        %gather3A_142 = vector.shape_cast %broadcast_in_dim3A_141 : vector<16x1xi32> to vector<16xi32>
        %gather3A_143 = tpu.dynamic_gather %exp3A[%gather3A_142] in [0] : vector<16xf32>, vector<16xi32> -> vector<16xf32>
        %get3A_144 = arith.index_cast %add3A_88 : i32 to index
        %get3A_145 = arith.constant 32 : index
        %get3A_146 = tpu.vector_load %arg14[%get3A_144, %get3A_145] {strides = array<i32>} : memref<120x80xf32, #tpu.memory_space<vmem>>, vector<1x16xf32>,
        %get3A_147 = vector.shape_cast %get3A_146 : vector<1x16xf32> to vector<16xf32>
        %mul3A_148 = arith.mulf %get3A_147, %gather3A_143 : vector<16xf32>
        %swap3A_149 = arith.index_cast %add3A_88 : i32 to index
        %swap3A_150 = arith.constant 32 : index
        %swap3A_151 = tpu.vector_load %arg14[%swap3A_149, %swap3A_150] {strides = array<i32>} : memref<120x80xf32, #tpu.memory_space<vmem>>, vector<1x16xf32>,
        %swap3A_152 = vector.shape_cast %swap3A_151 : vector<1x16xf32> to vector<16xf32>
        %swap3A_153 = vector.shape_cast %mul3A_148 : vector<16xf32> to vector<1x16xf32>
        tpu.vector_store %arg14[%swap3A_149, %swap3A_150], %swap3A_153 {strides = array<i32>} : memref<120x80xf32, #tpu.memory_space<vmem>>, vector<1x16xf32>,
        %broadcast_in_dim3A_154 = arith.constant 0 : i32
        %broadcast_in_dim3A_155 = vector.broadcast %broadcast_in_dim3A_154 : i32 to vector<16xi32>
        %broadcast_in_dim3A_156 = vector.shape_cast %broadcast_in_dim3A_155 : vector<16xi32> to vector<16x1xi32>
        %gather3A_157 = vector.shape_cast %broadcast_in_dim3A_156 : vector<16x1xi32> to vector<16xi32>
        %gather3A_158 = tpu.dynamic_gather %exp3A[%gather3A_157] in [0] : vector<16xf32>, vector<16xi32> -> vector<16xf32>
        %get3A_159 = arith.index_cast %add3A_88 : i32 to index
        %get3A_160 = arith.constant 48 : index
        %get3A_161 = tpu.vector_load %arg14[%get3A_159, %get3A_160] {strides = array<i32>} : memref<120x80xf32, #tpu.memory_space<vmem>>, vector<1x16xf32>,
        %get3A_162 = vector.shape_cast %get3A_161 : vector<1x16xf32> to vector<16xf32>
        %mul3A_163 = arith.mulf %get3A_162, %gather3A_158 : vector<16xf32>
        %swap3A_164 = arith.index_cast %add3A_88 : i32 to index
        %swap3A_165 = arith.constant 48 : index
        %swap3A_166 = tpu.vector_load %arg14[%swap3A_164, %swap3A_165] {strides = array<i32>} : memref<120x80xf32, #tpu.memory_space<vmem>>, vector<1x16xf32>,
        %swap3A_167 = vector.shape_cast %swap3A_166 : vector<1x16xf32> to vector<16xf32>
        %swap3A_168 = vector.shape_cast %mul3A_163 : vector<16xf32> to vector<1x16xf32>
        tpu.vector_store %arg14[%swap3A_164, %swap3A_165], %swap3A_168 {strides = array<i32>} : memref<120x80xf32, #tpu.memory_space<vmem>>, vector<1x16xf32>,
      }
      %scan3A_83 = arith.constant 120 : i32
      "tpu.region"() ({
        %run_scoped3A = tpu.sem_alloc : memref<!tpu.dma_semaphore, #tpu.memory_space<semaphore_mem>>
        %dma_start3A_84 = arith.constant 0 : i32
        %dma_start3A_85 = arith.constant 0 : i32
        %dma_start3A_86 = tpu.memref_slice %arg18[%dma_start3A_84, %dma_start3A_85] : memref<10000x80xf32, #tpu.memory_space<vmem_shared>> -> memref<10000x80xf32, #tpu.memory_space<vmem_shared>>
        tpu.enqueue_indirect_dma source(%arg14 : memref<120x80xf32, #tpu.memory_space<vmem>>) target(%dma_start3A_86 : memref<10000x80xf32, #tpu.memory_space<vmem_shared>>) offsets(%arg12 : memref<120xi32, #tpu.memory_space<vmem>>) semaphore(%run_scoped3A : memref<!tpu.dma_semaphore, #tpu.memory_space<semaphore_mem>>) {add = true}
        %dma_wait3A_87 = arith.constant 0 : i32
        %dma_wait3A_88 = arith.constant 0 : i32
        %dma_wait3A_89 = tpu.memref_slice %arg18[%dma_wait3A_87, %dma_wait3A_88] : memref<10000x80xf32, #tpu.memory_space<vmem_shared>> -> memref<10000x80xf32, #tpu.memory_space<vmem_shared>>
        tpu.wait_indirect_dma semaphore(%run_scoped3A : memref<!tpu.dma_semaphore, #tpu.memory_space<semaphore_mem>>) src(%arg14 : memref<120x80xf32, #tpu.memory_space<vmem>>) dst(%dma_wait3A_89 : memref<10000x80xf32, #tpu.memory_space<vmem_shared>>)
        tpu.yield
      }) : () -> ()
    }
    %scan3A_26 = arith.constant 43 : i32
    %barrier3A_27 = arith.constant 0 : index
    tpu.barrier barrier_id(%barrier3A_27)
    %mul3A_28 = arith.constant 624 : i32
    %mul3A_29 = arith.muli %arg1, %mul3A_28 : i32
    %mul3A_30 = arith.constant 624 : i32
    %mul3A_31 = arith.muli %arg1, %mul3A_30 : i32
    "tpu.region"() ({
      %run_scoped3A = tpu.sem_alloc : memref<!tpu.dma_semaphore, #tpu.memory_space<semaphore_mem>>
      %dma_start3A_37 = arith.constant 0 : i32
      %dma_start3A_38 = tpu.memref_slice %arg8[%arg0, %mul3A_31, %dma_start3A_37] : memref<2x10000x80xf32, #tpu.memory_space<hbm>> -> memref<1x624x80xf32, #tpu.memory_space<hbm>>
      %dma_start3A_39 = tpu.memref_squeeze %dma_start3A_38 : memref<1x624x80xf32, #tpu.memory_space<hbm>> -> memref<624x80xf32, #tpu.memory_space<hbm>>
      %dma_start3A_40 = arith.constant 0 : i32
      %dma_start3A_41 = tpu.memref_slice %arg18[%mul3A_29, %dma_start3A_40] : memref<10000x80xf32, #tpu.memory_space<vmem_shared>> -> memref<624x80xf32, #tpu.memory_space<vmem_shared>>
      tpu.enqueue_dma source(%dma_start3A_41 : memref<624x80xf32, #tpu.memory_space<vmem_shared>>) target(%dma_start3A_39 : memref<624x80xf32, #tpu.memory_space<hbm>>) target_semaphore(%run_scoped3A : memref<!tpu.dma_semaphore, #tpu.memory_space<semaphore_mem>>)
      %dma_wait3A = arith.constant 0 : i32
      %dma_wait3A_42 = tpu.memref_slice %arg8[%arg0, %mul3A_31, %dma_wait3A] : memref<2x10000x80xf32, #tpu.memory_space<hbm>> -> memref<1x624x80xf32, #tpu.memory_space<hbm>>
      %dma_wait3A_43 = tpu.memref_squeeze %dma_wait3A_42 : memref<1x624x80xf32, #tpu.memory_space<hbm>> -> memref<624x80xf32, #tpu.memory_space<hbm>>
      %dma_wait3A_44 = arith.constant 0 : i32
      %dma_wait3A_45 = tpu.memref_slice %arg18[%mul3A_29, %dma_wait3A_44] : memref<10000x80xf32, #tpu.memory_space<vmem_shared>> -> memref<624x80xf32, #tpu.memory_space<vmem_shared>>
      tpu.wait_dma2 semaphore(%run_scoped3A : memref<!tpu.dma_semaphore, #tpu.memory_space<semaphore_mem>>) src(%dma_wait3A_45 : memref<624x80xf32, #tpu.memory_space<vmem_shared>>) dst(%dma_wait3A_43 : memref<624x80xf32, #tpu.memory_space<hbm>>)
      tpu.yield
    }) : () -> ()
    %eq3A_32 = arith.constant 15 : i32
    %eq3A_33 = arith.cmpi eq, %arg1, %eq3A_32 : i32
    %convert_element_type3A_34 = arith.extui %eq3A_33 : i1 to i32
    %cond3A_35 = arith.constant 0 : i32
    %cond3A_36 = arith.cmpi ne, %convert_element_type3A_34, %cond3A_35 : i32
    scf.if %cond3A_36 {
      "tpu.region"() ({
        %run_scoped3A = tpu.sem_alloc : memref<!tpu.dma_semaphore, #tpu.memory_space<semaphore_mem>>
        %dma_start3A_37 = arith.constant 9984 : i32
        %dma_start3A_38 = arith.constant 0 : i32
        %dma_start3A_39 = tpu.memref_slice %arg8[%arg0, %dma_start3A_37, %dma_start3A_38] : memref<2x10000x80xf32, #tpu.memory_space<hbm>> -> memref<1x16x80xf32, #tpu.memory_space<hbm>>
        %dma_start3A_40 = tpu.memref_squeeze %dma_start3A_39 : memref<1x16x80xf32, #tpu.memory_space<hbm>> -> memref<16x80xf32, #tpu.memory_space<hbm>>
        %dma_start3A_41 = arith.constant 9984 : i32
        %dma_start3A_42 = arith.constant 0 : i32
        %dma_start3A_43 = tpu.memref_slice %arg18[%dma_start3A_41, %dma_start3A_42] : memref<10000x80xf32, #tpu.memory_space<vmem_shared>> -> memref<16x80xf32, #tpu.memory_space<vmem_shared>>
        tpu.enqueue_dma source(%dma_start3A_43 : memref<16x80xf32, #tpu.memory_space<vmem_shared>>) target(%dma_start3A_40 : memref<16x80xf32, #tpu.memory_space<hbm>>) target_semaphore(%run_scoped3A : memref<!tpu.dma_semaphore, #tpu.memory_space<semaphore_mem>>)
        %dma_wait3A = arith.constant 9984 : i32
        %dma_wait3A_44 = arith.constant 0 : i32
        %dma_wait3A_45 = tpu.memref_slice %arg8[%arg0, %dma_wait3A, %dma_wait3A_44] : memref<2x10000x80xf32, #tpu.memory_space<hbm>> -> memref<1x16x80xf32, #tpu.memory_space<hbm>>
        %dma_wait3A_46 = tpu.memref_squeeze %dma_wait3A_45 : memref<1x16x80xf32, #tpu.memory_space<hbm>> -> memref<16x80xf32, #tpu.memory_space<hbm>>
        %dma_wait3A_47 = arith.constant 9984 : i32
        %dma_wait3A_48 = arith.constant 0 : i32
        %dma_wait3A_49 = tpu.memref_slice %arg18[%dma_wait3A_47, %dma_wait3A_48] : memref<10000x80xf32, #tpu.memory_space<vmem_shared>> -> memref<16x80xf32, #tpu.memory_space<vmem_shared>>
        tpu.wait_dma2 semaphore(%run_scoped3A : memref<!tpu.dma_semaphore, #tpu.memory_space<semaphore_mem>>) src(%dma_wait3A_49 : memref<16x80xf32, #tpu.memory_space<vmem_shared>>) dst(%dma_wait3A_46 : memref<16x80xf32, #tpu.memory_space<hbm>>)
        tpu.yield
      }) : () -> ()
    } else {
    }
    return
  }
}

#map = affine_map<(d0, d1) -> (0, 0)>
#map1 = affine_map<(d0, d1) -> (0)>
#map2 = affine_map<(d0, d1) -> (0, 0, 0)>
module attributes {stable_mosaic.version = 14 : i64} {
  func.func @edge_kernel(%arg0: i32, %arg1: i32, %arg2: memref<10001x144xf32, #tpu.memory_space<hbm>>, %arg3: memref<10000x16xf32, #tpu.memory_space<hbm>>, %arg4: memref<1x16xf32, #tpu.memory_space<hbm>>, %arg5: memref<330240xi32, #tpu.memory_space<hbm>>, %arg6: memref<330240xi32, #tpu.memory_space<hbm>>, %arg7: memref<624x144xf32, #tpu.memory_space<hbm>>, %arg8: memref<2x10000x144xf32, #tpu.memory_space<hbm>>, %arg9: memref<120xi32, #tpu.memory_space<vmem>>, %arg10: memref<120xi32, #tpu.memory_space<vmem>>, %arg11: memref<120xi32, #tpu.memory_space<vmem>>, %arg12: memref<120xi32, #tpu.memory_space<vmem>>, %arg13: memref<120x144xf32, #tpu.memory_space<vmem>>, %arg14: memref<120x144xf32, #tpu.memory_space<vmem>>, %arg15: memref<120x16xf32, #tpu.memory_space<vmem>>, %arg16: memref<120x16xf32, #tpu.memory_space<vmem>>, %arg17: memref<1x16xf32, #tpu.memory_space<vmem>>, %arg18: memref<10000x144xf32, #tpu.memory_space<vmem_shared>>, %arg19: memref<!tpu.dma_semaphore, #tpu.memory_space<semaphore_mem>>, %arg20: memref<!tpu.dma_semaphore, #tpu.memory_space<semaphore_mem>>, %arg21: memref<!tpu.dma_semaphore, #tpu.memory_space<semaphore_mem>>, %arg22: memref<!tpu.dma_semaphore, #tpu.memory_space<semaphore_mem>>) attributes {dimension_semantics = [#tpu.dimension_semantics<core_parallel>, #tpu.dimension_semantics<subcore_parallel>], iteration_bounds = array<i64: 2, 16>, scalar_prefetch = 0 : i64, scratch_operands = 14 : i64, tpu.core_type = #tpu.core_type<sc_vector_subcore>, window_params = [{transform_indices = #map}, {transform_indices = #map}, {transform_indices = #map}, {transform_indices = #map1}, {transform_indices = #map1}, {transform_indices = #map}, {transform_indices = #map2}]} {
    %mul3A = arith.constant 2 : i32
    %mul3A_0 = arith.muli %arg1, %mul3A : i32
    %add3A = arith.addi %mul3A_0, %arg0 : i32
    %mul3A_1 = arith.constant 624 : i32
    %mul3A_2 = arith.muli %arg1, %mul3A_1 : i32
    "tpu.region"() ({
      %run_scoped3A = tpu.sem_alloc : memref<!tpu.dma_semaphore, #tpu.memory_space<semaphore_mem>>
      %dma_start3A_37 = arith.constant 0 : i32
      %dma_start3A_38 = tpu.memref_slice %arg18[%mul3A_2, %dma_start3A_37] : memref<10000x144xf32, #tpu.memory_space<vmem_shared>> -> memref<624x144xf32, #tpu.memory_space<vmem_shared>>
      %dma_start3A_39 = arith.constant 0 : i32
      %dma_start3A_40 = arith.constant 0 : i32
      %dma_start3A_41 = tpu.memref_slice %arg7[%dma_start3A_39, %dma_start3A_40] : memref<624x144xf32, #tpu.memory_space<hbm>> -> memref<624x144xf32, #tpu.memory_space<hbm>>
      tpu.enqueue_dma source(%dma_start3A_41 : memref<624x144xf32, #tpu.memory_space<hbm>>) target(%dma_start3A_38 : memref<624x144xf32, #tpu.memory_space<vmem_shared>>) target_semaphore(%run_scoped3A : memref<!tpu.dma_semaphore, #tpu.memory_space<semaphore_mem>>)
      %dma_wait3A = arith.constant 0 : i32
      %dma_wait3A_42 = tpu.memref_slice %arg18[%mul3A_2, %dma_wait3A] : memref<10000x144xf32, #tpu.memory_space<vmem_shared>> -> memref<624x144xf32, #tpu.memory_space<vmem_shared>>
      %dma_wait3A_43 = arith.constant 0 : i32
      %dma_wait3A_44 = arith.constant 0 : i32
      %dma_wait3A_45 = tpu.memref_slice %arg7[%dma_wait3A_43, %dma_wait3A_44] : memref<624x144xf32, #tpu.memory_space<hbm>> -> memref<624x144xf32, #tpu.memory_space<hbm>>
      tpu.wait_dma2 semaphore(%run_scoped3A : memref<!tpu.dma_semaphore, #tpu.memory_space<semaphore_mem>>) src(%dma_wait3A_45 : memref<624x144xf32, #tpu.memory_space<hbm>>) dst(%dma_wait3A_42 : memref<624x144xf32, #tpu.memory_space<vmem_shared>>)
      tpu.yield
    }) : () -> ()
    %eq3A = arith.constant 15 : i32
    %eq3A_3 = arith.cmpi eq, %arg1, %eq3A : i32
    %convert_element_type3A = arith.extui %eq3A_3 : i1 to i32
    %cond3A = arith.constant 0 : i32
    %cond3A_4 = arith.cmpi ne, %convert_element_type3A, %cond3A : i32
    scf.if %cond3A_4 {
      "tpu.region"() ({
        %run_scoped3A = tpu.sem_alloc : memref<!tpu.dma_semaphore, #tpu.memory_space<semaphore_mem>>
        %dma_start3A_37 = arith.constant 9984 : i32
        %dma_start3A_38 = arith.constant 0 : i32
        %dma_start3A_39 = tpu.memref_slice %arg18[%dma_start3A_37, %dma_start3A_38] : memref<10000x144xf32, #tpu.memory_space<vmem_shared>> -> memref<16x144xf32, #tpu.memory_space<vmem_shared>>
        %dma_start3A_40 = arith.constant 0 : i32
        %dma_start3A_41 = arith.constant 0 : i32
        %dma_start3A_42 = tpu.memref_slice %arg7[%dma_start3A_40, %dma_start3A_41] : memref<624x144xf32, #tpu.memory_space<hbm>> -> memref<16x144xf32, #tpu.memory_space<hbm>>
        tpu.enqueue_dma source(%dma_start3A_42 : memref<16x144xf32, #tpu.memory_space<hbm>>) target(%dma_start3A_39 : memref<16x144xf32, #tpu.memory_space<vmem_shared>>) target_semaphore(%run_scoped3A : memref<!tpu.dma_semaphore, #tpu.memory_space<semaphore_mem>>)
        %dma_wait3A = arith.constant 9984 : i32
        %dma_wait3A_43 = arith.constant 0 : i32
        %dma_wait3A_44 = tpu.memref_slice %arg18[%dma_wait3A, %dma_wait3A_43] : memref<10000x144xf32, #tpu.memory_space<vmem_shared>> -> memref<16x144xf32, #tpu.memory_space<vmem_shared>>
        %dma_wait3A_45 = arith.constant 0 : i32
        %dma_wait3A_46 = arith.constant 0 : i32
        %dma_wait3A_47 = tpu.memref_slice %arg7[%dma_wait3A_45, %dma_wait3A_46] : memref<624x144xf32, #tpu.memory_space<hbm>> -> memref<16x144xf32, #tpu.memory_space<hbm>>
        tpu.wait_dma2 semaphore(%run_scoped3A : memref<!tpu.dma_semaphore, #tpu.memory_space<semaphore_mem>>) src(%dma_wait3A_47 : memref<16x144xf32, #tpu.memory_space<hbm>>) dst(%dma_wait3A_44 : memref<16x144xf32, #tpu.memory_space<vmem_shared>>)
        tpu.yield
      }) : () -> ()
    } else {
    }
    "tpu.region"() ({
      %run_scoped3A = tpu.sem_alloc : memref<!tpu.dma_semaphore, #tpu.memory_space<semaphore_mem>>
      tpu.enqueue_dma source(%arg4 : memref<1x16xf32, #tpu.memory_space<hbm>>) target(%arg17 : memref<1x16xf32, #tpu.memory_space<vmem>>) target_semaphore(%run_scoped3A : memref<!tpu.dma_semaphore, #tpu.memory_space<semaphore_mem>>)
      tpu.wait_dma2 semaphore(%run_scoped3A : memref<!tpu.dma_semaphore, #tpu.memory_space<semaphore_mem>>) src(%arg4 : memref<1x16xf32, #tpu.memory_space<hbm>>) dst(%arg17 : memref<1x16xf32, #tpu.memory_space<vmem>>)
      tpu.yield
    }) : () -> ()
    %barrier3A = arith.constant 0 : index
    tpu.barrier barrier_id(%barrier3A)
    %get3A = arith.constant 0 : i32
    %get3A_5 = arith.index_cast %get3A : i32 to index
    %get3A_6 = arith.constant 0 : index
    %get3A_7 = tpu.vector_load %arg17[%get3A_5, %get3A_6] {strides = array<i32>} : memref<1x16xf32, #tpu.memory_space<vmem>>, vector<1x16xf32>,
    %get3A_8 = vector.shape_cast %get3A_7 : vector<1x16xf32> to vector<16xf32>
    %iota3A = tpu.iota {dimensions = array<i32: 0>} : vector<16xi32>
    %and3A = arith.constant 7 : i32
    %and3A_9 = vector.broadcast %and3A : i32 to vector<16xi32>
    %and3A_10 = arith.andi %iota3A, %and3A_9 : vector<16xi32>
    %add3A_11 = arith.constant 8 : i32
    %add3A_12 = vector.broadcast %add3A_11 : i32 to vector<16xi32>
    %add3A_13 = arith.addi %and3A_10, %add3A_12 : vector<16xi32>
    %mul3A_14 = arith.constant 10320 : i32
    %mul3A_15 = arith.muli %add3A, %mul3A_14 : i32
    %add3A_16 = arith.constant 0 : i32
    %add3A_17 = arith.addi %mul3A_15, %add3A_16 : i32
    "tpu.region"() ({
      %run_scoped3A = tpu.sem_alloc : memref<!tpu.dma_semaphore, #tpu.memory_space<semaphore_mem>>
      %dma_start3A_37 = tpu.memref_slice %arg5[%add3A_17] : memref<330240xi32, #tpu.memory_space<hbm>> -> memref<120xi32, #tpu.memory_space<hbm>>
      %dma_start3A_38 = tpu.memref_slice %arg5[%add3A_17] : memref<330240xi32, #tpu.memory_space<hbm>> -> memref<120xi32, #tpu.memory_space<hbm>>
      tpu.enqueue_dma source(%dma_start3A_38 : memref<120xi32, #tpu.memory_space<hbm>>) target(%arg9 : memref<120xi32, #tpu.memory_space<vmem>>) target_semaphore(%run_scoped3A : memref<!tpu.dma_semaphore, #tpu.memory_space<semaphore_mem>>)
      %dma_wait3A = tpu.memref_slice %arg5[%add3A_17] : memref<330240xi32, #tpu.memory_space<hbm>> -> memref<120xi32, #tpu.memory_space<hbm>>
      %dma_wait3A_39 = tpu.memref_slice %arg5[%add3A_17] : memref<330240xi32, #tpu.memory_space<hbm>> -> memref<120xi32, #tpu.memory_space<hbm>>
      tpu.wait_dma2 semaphore(%run_scoped3A : memref<!tpu.dma_semaphore, #tpu.memory_space<semaphore_mem>>) src(%dma_wait3A_39 : memref<120xi32, #tpu.memory_space<hbm>>) dst(%arg9 : memref<120xi32, #tpu.memory_space<vmem>>)
      tpu.yield
    }) : () -> ()
    "tpu.region"() ({
      %run_scoped3A = tpu.sem_alloc : memref<!tpu.dma_semaphore, #tpu.memory_space<semaphore_mem>>
      %dma_start3A_37 = tpu.memref_slice %arg6[%add3A_17] : memref<330240xi32, #tpu.memory_space<hbm>> -> memref<120xi32, #tpu.memory_space<hbm>>
      %dma_start3A_38 = tpu.memref_slice %arg6[%add3A_17] : memref<330240xi32, #tpu.memory_space<hbm>> -> memref<120xi32, #tpu.memory_space<hbm>>
      tpu.enqueue_dma source(%dma_start3A_38 : memref<120xi32, #tpu.memory_space<hbm>>) target(%arg11 : memref<120xi32, #tpu.memory_space<vmem>>) target_semaphore(%run_scoped3A : memref<!tpu.dma_semaphore, #tpu.memory_space<semaphore_mem>>)
      %dma_wait3A = tpu.memref_slice %arg6[%add3A_17] : memref<330240xi32, #tpu.memory_space<hbm>> -> memref<120xi32, #tpu.memory_space<hbm>>
      %dma_wait3A_39 = tpu.memref_slice %arg6[%add3A_17] : memref<330240xi32, #tpu.memory_space<hbm>> -> memref<120xi32, #tpu.memory_space<hbm>>
      tpu.wait_dma2 semaphore(%run_scoped3A : memref<!tpu.dma_semaphore, #tpu.memory_space<semaphore_mem>>) src(%dma_wait3A_39 : memref<120xi32, #tpu.memory_space<hbm>>) dst(%arg11 : memref<120xi32, #tpu.memory_space<vmem>>)
      tpu.yield
    }) : () -> ()
    %dma_start3A = arith.constant 0 : i32
    %dma_start3A_18 = arith.constant 0 : i32
    %dma_start3A_19 = tpu.memref_slice %arg2[%dma_start3A, %dma_start3A_18] : memref<10001x144xf32, #tpu.memory_space<hbm>> -> memref<10001x144xf32, #tpu.memory_space<hbm>>
    tpu.enqueue_indirect_dma source(%dma_start3A_19 : memref<10001x144xf32, #tpu.memory_space<hbm>>) target(%arg13 : memref<120x144xf32, #tpu.memory_space<vmem>>) offsets(%arg9 : memref<120xi32, #tpu.memory_space<vmem>>) semaphore(%arg19 : memref<!tpu.dma_semaphore, #tpu.memory_space<semaphore_mem>>)
    %dma_start3A_20 = arith.constant 0 : i32
    %dma_start3A_21 = arith.constant 0 : i32
    %dma_start3A_22 = tpu.memref_slice %arg3[%dma_start3A_20, %dma_start3A_21] : memref<10000x16xf32, #tpu.memory_space<hbm>> -> memref<10000x16xf32, #tpu.memory_space<hbm>>
    tpu.enqueue_indirect_dma source(%dma_start3A_22 : memref<10000x16xf32, #tpu.memory_space<hbm>>) target(%arg15 : memref<120x16xf32, #tpu.memory_space<vmem>>) offsets(%arg11 : memref<120xi32, #tpu.memory_space<vmem>>) semaphore(%arg21 : memref<!tpu.dma_semaphore, #tpu.memory_space<semaphore_mem>>)
    %scan3A = arith.constant 0 : i32
    %scan3A_23 = arith.constant 43 : i32
    %scan3A_24 = arith.addi %scan3A, %scan3A_23 : i32
    %scan3A_25 = arith.constant 1 : i32
    scf.for %scan3A_37 = %scan3A to %scan3A_24 step %scan3A_25  : i32 {
      %mul3A_38 = arith.constant 1 : i32
      %mul3A_39 = arith.muli %scan3A_37, %mul3A_38 : i32
      %add3A_40 = arith.constant 0 : i32
      %add3A_41 = arith.addi %add3A_40, %mul3A_39 : i32
      %mul3A_42 = arith.constant 2 : i32
      %mul3A_43 = arith.muli %add3A_41, %mul3A_42 : i32
      %add3A_44 = arith.constant 0 : i32
      %add3A_45 = arith.addi %mul3A_43, %add3A_44 : i32
      %add3A_46 = arith.constant 1 : i32
      %add3A_47 = arith.addi %add3A_45, %add3A_46 : i32
      %lt3A = arith.constant 86 : i32
      %lt3A_48 = arith.cmpi slt, %add3A_47, %lt3A : i32
      %convert_element_type3A_49 = arith.extui %lt3A_48 : i1 to i32
      %cond3A_50 = arith.constant 0 : i32
      %cond3A_51 = arith.cmpi ne, %convert_element_type3A_49, %cond3A_50 : i32
      scf.if %cond3A_51 {
        %add3A_84 = arith.constant 1 : i32
        %add3A_85 = arith.addi %add3A_45, %add3A_84 : i32
        %mul3A_86 = arith.constant 120 : i32
        %mul3A_87 = arith.muli %add3A_85, %mul3A_86 : i32
        %add3A_88 = arith.addi %mul3A_15, %mul3A_87 : i32
        "tpu.region"() ({
          %run_scoped3A = tpu.sem_alloc : memref<!tpu.dma_semaphore, #tpu.memory_space<semaphore_mem>>
          %dma_start3A_95 = tpu.memref_slice %arg5[%add3A_88] : memref<330240xi32, #tpu.memory_space<hbm>> -> memref<120xi32, #tpu.memory_space<hbm>>
          %dma_start3A_96 = tpu.memref_slice %arg5[%add3A_88] : memref<330240xi32, #tpu.memory_space<hbm>> -> memref<120xi32, #tpu.memory_space<hbm>>
          tpu.enqueue_dma source(%dma_start3A_96 : memref<120xi32, #tpu.memory_space<hbm>>) target(%arg10 : memref<120xi32, #tpu.memory_space<vmem>>) target_semaphore(%run_scoped3A : memref<!tpu.dma_semaphore, #tpu.memory_space<semaphore_mem>>)
          %dma_wait3A_97 = tpu.memref_slice %arg5[%add3A_88] : memref<330240xi32, #tpu.memory_space<hbm>> -> memref<120xi32, #tpu.memory_space<hbm>>
          %dma_wait3A_98 = tpu.memref_slice %arg5[%add3A_88] : memref<330240xi32, #tpu.memory_space<hbm>> -> memref<120xi32, #tpu.memory_space<hbm>>
          tpu.wait_dma2 semaphore(%run_scoped3A : memref<!tpu.dma_semaphore, #tpu.memory_space<semaphore_mem>>) src(%dma_wait3A_98 : memref<120xi32, #tpu.memory_space<hbm>>) dst(%arg10 : memref<120xi32, #tpu.memory_space<vmem>>)
          tpu.yield
        }) : () -> ()
        "tpu.region"() ({
          %run_scoped3A = tpu.sem_alloc : memref<!tpu.dma_semaphore, #tpu.memory_space<semaphore_mem>>
          %dma_start3A_95 = tpu.memref_slice %arg6[%add3A_88] : memref<330240xi32, #tpu.memory_space<hbm>> -> memref<120xi32, #tpu.memory_space<hbm>>
          %dma_start3A_96 = tpu.memref_slice %arg6[%add3A_88] : memref<330240xi32, #tpu.memory_space<hbm>> -> memref<120xi32, #tpu.memory_space<hbm>>
          tpu.enqueue_dma source(%dma_start3A_96 : memref<120xi32, #tpu.memory_space<hbm>>) target(%arg12 : memref<120xi32, #tpu.memory_space<vmem>>) target_semaphore(%run_scoped3A : memref<!tpu.dma_semaphore, #tpu.memory_space<semaphore_mem>>)
          %dma_wait3A_97 = tpu.memref_slice %arg6[%add3A_88] : memref<330240xi32, #tpu.memory_space<hbm>> -> memref<120xi32, #tpu.memory_space<hbm>>
          %dma_wait3A_98 = tpu.memref_slice %arg6[%add3A_88] : memref<330240xi32, #tpu.memory_space<hbm>> -> memref<120xi32, #tpu.memory_space<hbm>>
          tpu.wait_dma2 semaphore(%run_scoped3A : memref<!tpu.dma_semaphore, #tpu.memory_space<semaphore_mem>>) src(%dma_wait3A_98 : memref<120xi32, #tpu.memory_space<hbm>>) dst(%arg12 : memref<120xi32, #tpu.memory_space<vmem>>)
          tpu.yield
        }) : () -> ()
        %dma_start3A_89 = arith.constant 0 : i32
        %dma_start3A_90 = arith.constant 0 : i32
        %dma_start3A_91 = tpu.memref_slice %arg2[%dma_start3A_89, %dma_start3A_90] : memref<10001x144xf32, #tpu.memory_space<hbm>> -> memref<10001x144xf32, #tpu.memory_space<hbm>>
        tpu.enqueue_indirect_dma source(%dma_start3A_91 : memref<10001x144xf32, #tpu.memory_space<hbm>>) target(%arg14 : memref<120x144xf32, #tpu.memory_space<vmem>>) offsets(%arg10 : memref<120xi32, #tpu.memory_space<vmem>>) semaphore(%arg20 : memref<!tpu.dma_semaphore, #tpu.memory_space<semaphore_mem>>)
        %dma_start3A_92 = arith.constant 0 : i32
        %dma_start3A_93 = arith.constant 0 : i32
        %dma_start3A_94 = tpu.memref_slice %arg3[%dma_start3A_92, %dma_start3A_93] : memref<10000x16xf32, #tpu.memory_space<hbm>> -> memref<10000x16xf32, #tpu.memory_space<hbm>>
        tpu.enqueue_indirect_dma source(%dma_start3A_94 : memref<10000x16xf32, #tpu.memory_space<hbm>>) target(%arg16 : memref<120x16xf32, #tpu.memory_space<vmem>>) offsets(%arg12 : memref<120xi32, #tpu.memory_space<vmem>>) semaphore(%arg22 : memref<!tpu.dma_semaphore, #tpu.memory_space<semaphore_mem>>)
      } else {
      }
      %dma_wait3A = arith.constant 0 : i32
      %dma_wait3A_52 = arith.constant 0 : i32
      %dma_wait3A_53 = tpu.memref_slice %arg2[%dma_wait3A, %dma_wait3A_52] : memref<10001x144xf32, #tpu.memory_space<hbm>> -> memref<10001x144xf32, #tpu.memory_space<hbm>>
      tpu.wait_indirect_dma semaphore(%arg19 : memref<!tpu.dma_semaphore, #tpu.memory_space<semaphore_mem>>) src(%dma_wait3A_53 : memref<10001x144xf32, #tpu.memory_space<hbm>>) dst(%arg13 : memref<120x144xf32, #tpu.memory_space<vmem>>)
      %dma_wait3A_54 = arith.constant 0 : i32
      %dma_wait3A_55 = arith.constant 0 : i32
      %dma_wait3A_56 = tpu.memref_slice %arg3[%dma_wait3A_54, %dma_wait3A_55] : memref<10000x16xf32, #tpu.memory_space<hbm>> -> memref<10000x16xf32, #tpu.memory_space<hbm>>
      tpu.wait_indirect_dma semaphore(%arg21 : memref<!tpu.dma_semaphore, #tpu.memory_space<semaphore_mem>>) src(%dma_wait3A_56 : memref<10000x16xf32, #tpu.memory_space<hbm>>) dst(%arg15 : memref<120x16xf32, #tpu.memory_space<vmem>>)
      %scan3A_57 = arith.constant 0 : i32
      %scan3A_58 = arith.constant 120 : i32
      %scan3A_59 = arith.addi %scan3A_57, %scan3A_58 : i32
      %scan3A_60 = arith.constant 1 : i32
      scf.for %scan3A_84 = %scan3A_57 to %scan3A_59 step %scan3A_60  : i32 {
        %mul3A_85 = arith.constant 1 : i32
        %mul3A_86 = arith.muli %scan3A_84, %mul3A_85 : i32
        %add3A_87 = arith.constant 0 : i32
        %add3A_88 = arith.addi %add3A_87, %mul3A_86 : i32
        %get3A_89 = arith.index_cast %add3A_88 : i32 to index
        %get3A_90 = arith.constant 128 : index
        %get3A_91 = tpu.vector_load %arg13[%get3A_89, %get3A_90] {strides = array<i32>} : memref<120x144xf32, #tpu.memory_space<vmem>>, vector<1x16xf32>,
        %get3A_92 = vector.shape_cast %get3A_91 : vector<1x16xf32> to vector<16xf32>
        %get3A_93 = arith.index_cast %add3A_88 : i32 to index
        %get3A_94 = arith.constant 0 : index
        %get3A_95 = tpu.vector_load %arg15[%get3A_93, %get3A_94] {strides = array<i32>} : memref<120x16xf32, #tpu.memory_space<vmem>>, vector<1x16xf32>,
        %get3A_96 = vector.shape_cast %get3A_95 : vector<1x16xf32> to vector<16xf32>
        %add3A_97 = arith.addf %get3A_96, %get3A_8 : vector<16xf32>
        %add3A_98 = arith.addf %get3A_92, %add3A_97 : vector<16xf32>
        %gt3A = arith.constant 0.000000e+00 : f32
        %gt3A_99 = vector.broadcast %gt3A : f32 to vector<16xf32>
        %gt3A_100 = arith.cmpf ogt, %add3A_98, %gt3A_99 : vector<16xf32>
        %mul3A_101 = arith.constant 2.000000e-01 : f32
        %mul3A_102 = vector.broadcast %mul3A_101 : f32 to vector<16xf32>
        %mul3A_103 = arith.mulf %add3A_98, %mul3A_102 : vector<16xf32>
        %select_n3A = arith.select %gt3A_100, %add3A_98, %mul3A_103 : vector<16xi1>, vector<16xf32>
        %broadcast_in_dim3A = vector.shape_cast %add3A_13 : vector<16xi32> to vector<16x1xi32>
        %gather3A = vector.shape_cast %broadcast_in_dim3A : vector<16x1xi32> to vector<16xi32>
        %gather3A_104 = tpu.dynamic_gather %select_n3A[%gather3A] in [0] : vector<16xf32>, vector<16xi32> -> vector<16xf32>
        %sub3A = arith.subf %select_n3A, %gather3A_104 : vector<16xf32>
        %exp3A = math.exp %sub3A : vector<16xf32>
        %swap3A = arith.index_cast %add3A_88 : i32 to index
        %swap3A_105 = arith.constant 128 : index
        %swap3A_106 = tpu.vector_load %arg13[%swap3A, %swap3A_105] {strides = array<i32>} : memref<120x144xf32, #tpu.memory_space<vmem>>, vector<1x16xf32>,
        %swap3A_107 = vector.shape_cast %swap3A_106 : vector<1x16xf32> to vector<16xf32>
        %swap3A_108 = vector.shape_cast %exp3A : vector<16xf32> to vector<1x16xf32>
        tpu.vector_store %arg13[%swap3A, %swap3A_105], %swap3A_108 {strides = array<i32>} : memref<120x144xf32, #tpu.memory_space<vmem>>, vector<1x16xf32>,
        %broadcast_in_dim3A_109 = arith.constant 0 : i32
        %broadcast_in_dim3A_110 = vector.broadcast %broadcast_in_dim3A_109 : i32 to vector<16xi32>
        %broadcast_in_dim3A_111 = vector.shape_cast %broadcast_in_dim3A_110 : vector<16xi32> to vector<16x1xi32>
        %gather3A_112 = vector.shape_cast %broadcast_in_dim3A_111 : vector<16x1xi32> to vector<16xi32>
        %gather3A_113 = tpu.dynamic_gather %exp3A[%gather3A_112] in [0] : vector<16xf32>, vector<16xi32> -> vector<16xf32>
        %get3A_114 = arith.index_cast %add3A_88 : i32 to index
        %get3A_115 = arith.constant 0 : index
        %get3A_116 = tpu.vector_load %arg13[%get3A_114, %get3A_115] {strides = array<i32>} : memref<120x144xf32, #tpu.memory_space<vmem>>, vector<1x16xf32>,
        %get3A_117 = vector.shape_cast %get3A_116 : vector<1x16xf32> to vector<16xf32>
        %mul3A_118 = arith.mulf %get3A_117, %gather3A_113 : vector<16xf32>
        %swap3A_119 = arith.index_cast %add3A_88 : i32 to index
        %swap3A_120 = arith.constant 0 : index
        %swap3A_121 = tpu.vector_load %arg13[%swap3A_119, %swap3A_120] {strides = array<i32>} : memref<120x144xf32, #tpu.memory_space<vmem>>, vector<1x16xf32>,
        %swap3A_122 = vector.shape_cast %swap3A_121 : vector<1x16xf32> to vector<16xf32>
        %swap3A_123 = vector.shape_cast %mul3A_118 : vector<16xf32> to vector<1x16xf32>
        tpu.vector_store %arg13[%swap3A_119, %swap3A_120], %swap3A_123 {strides = array<i32>} : memref<120x144xf32, #tpu.memory_space<vmem>>, vector<1x16xf32>,
        %broadcast_in_dim3A_124 = arith.constant 1 : i32
        %broadcast_in_dim3A_125 = vector.broadcast %broadcast_in_dim3A_124 : i32 to vector<16xi32>
        %broadcast_in_dim3A_126 = vector.shape_cast %broadcast_in_dim3A_125 : vector<16xi32> to vector<16x1xi32>
        %gather3A_127 = vector.shape_cast %broadcast_in_dim3A_126 : vector<16x1xi32> to vector<16xi32>
        %gather3A_128 = tpu.dynamic_gather %exp3A[%gather3A_127] in [0] : vector<16xf32>, vector<16xi32> -> vector<16xf32>
        %get3A_129 = arith.index_cast %add3A_88 : i32 to index
        %get3A_130 = arith.constant 16 : index
        %get3A_131 = tpu.vector_load %arg13[%get3A_129, %get3A_130] {strides = array<i32>} : memref<120x144xf32, #tpu.memory_space<vmem>>, vector<1x16xf32>,
        %get3A_132 = vector.shape_cast %get3A_131 : vector<1x16xf32> to vector<16xf32>
        %mul3A_133 = arith.mulf %get3A_132, %gather3A_128 : vector<16xf32>
        %swap3A_134 = arith.index_cast %add3A_88 : i32 to index
        %swap3A_135 = arith.constant 16 : index
        %swap3A_136 = tpu.vector_load %arg13[%swap3A_134, %swap3A_135] {strides = array<i32>} : memref<120x144xf32, #tpu.memory_space<vmem>>, vector<1x16xf32>,
        %swap3A_137 = vector.shape_cast %swap3A_136 : vector<1x16xf32> to vector<16xf32>
        %swap3A_138 = vector.shape_cast %mul3A_133 : vector<16xf32> to vector<1x16xf32>
        tpu.vector_store %arg13[%swap3A_134, %swap3A_135], %swap3A_138 {strides = array<i32>} : memref<120x144xf32, #tpu.memory_space<vmem>>, vector<1x16xf32>,
        %broadcast_in_dim3A_139 = arith.constant 2 : i32
        %broadcast_in_dim3A_140 = vector.broadcast %broadcast_in_dim3A_139 : i32 to vector<16xi32>
        %broadcast_in_dim3A_141 = vector.shape_cast %broadcast_in_dim3A_140 : vector<16xi32> to vector<16x1xi32>
        %gather3A_142 = vector.shape_cast %broadcast_in_dim3A_141 : vector<16x1xi32> to vector<16xi32>
        %gather3A_143 = tpu.dynamic_gather %exp3A[%gather3A_142] in [0] : vector<16xf32>, vector<16xi32> -> vector<16xf32>
        %get3A_144 = arith.index_cast %add3A_88 : i32 to index
        %get3A_145 = arith.constant 32 : index
        %get3A_146 = tpu.vector_load %arg13[%get3A_144, %get3A_145] {strides = array<i32>} : memref<120x144xf32, #tpu.memory_space<vmem>>, vector<1x16xf32>,
        %get3A_147 = vector.shape_cast %get3A_146 : vector<1x16xf32> to vector<16xf32>
        %mul3A_148 = arith.mulf %get3A_147, %gather3A_143 : vector<16xf32>
        %swap3A_149 = arith.index_cast %add3A_88 : i32 to index
        %swap3A_150 = arith.constant 32 : index
        %swap3A_151 = tpu.vector_load %arg13[%swap3A_149, %swap3A_150] {strides = array<i32>} : memref<120x144xf32, #tpu.memory_space<vmem>>, vector<1x16xf32>,
        %swap3A_152 = vector.shape_cast %swap3A_151 : vector<1x16xf32> to vector<16xf32>
        %swap3A_153 = vector.shape_cast %mul3A_148 : vector<16xf32> to vector<1x16xf32>
        tpu.vector_store %arg13[%swap3A_149, %swap3A_150], %swap3A_153 {strides = array<i32>} : memref<120x144xf32, #tpu.memory_space<vmem>>, vector<1x16xf32>,
        %broadcast_in_dim3A_154 = arith.constant 3 : i32
        %broadcast_in_dim3A_155 = vector.broadcast %broadcast_in_dim3A_154 : i32 to vector<16xi32>
        %broadcast_in_dim3A_156 = vector.shape_cast %broadcast_in_dim3A_155 : vector<16xi32> to vector<16x1xi32>
        %gather3A_157 = vector.shape_cast %broadcast_in_dim3A_156 : vector<16x1xi32> to vector<16xi32>
        %gather3A_158 = tpu.dynamic_gather %exp3A[%gather3A_157] in [0] : vector<16xf32>, vector<16xi32> -> vector<16xf32>
        %get3A_159 = arith.index_cast %add3A_88 : i32 to index
        %get3A_160 = arith.constant 48 : index
        %get3A_161 = tpu.vector_load %arg13[%get3A_159, %get3A_160] {strides = array<i32>} : memref<120x144xf32, #tpu.memory_space<vmem>>, vector<1x16xf32>,
        %get3A_162 = vector.shape_cast %get3A_161 : vector<1x16xf32> to vector<16xf32>
        %mul3A_163 = arith.mulf %get3A_162, %gather3A_158 : vector<16xf32>
        %swap3A_164 = arith.index_cast %add3A_88 : i32 to index
        %swap3A_165 = arith.constant 48 : index
        %swap3A_166 = tpu.vector_load %arg13[%swap3A_164, %swap3A_165] {strides = array<i32>} : memref<120x144xf32, #tpu.memory_space<vmem>>, vector<1x16xf32>,
        %swap3A_167 = vector.shape_cast %swap3A_166 : vector<1x16xf32> to vector<16xf32>
        %swap3A_168 = vector.shape_cast %mul3A_163 : vector<16xf32> to vector<1x16xf32>
        tpu.vector_store %arg13[%swap3A_164, %swap3A_165], %swap3A_168 {strides = array<i32>} : memref<120x144xf32, #tpu.memory_space<vmem>>, vector<1x16xf32>,
        %broadcast_in_dim3A_169 = arith.constant 4 : i32
        %broadcast_in_dim3A_170 = vector.broadcast %broadcast_in_dim3A_169 : i32 to vector<16xi32>
        %broadcast_in_dim3A_171 = vector.shape_cast %broadcast_in_dim3A_170 : vector<16xi32> to vector<16x1xi32>
        %gather3A_172 = vector.shape_cast %broadcast_in_dim3A_171 : vector<16x1xi32> to vector<16xi32>
        %gather3A_173 = tpu.dynamic_gather %exp3A[%gather3A_172] in [0] : vector<16xf32>, vector<16xi32> -> vector<16xf32>
        %get3A_174 = arith.index_cast %add3A_88 : i32 to index
        %get3A_175 = arith.constant 64 : index
        %get3A_176 = tpu.vector_load %arg13[%get3A_174, %get3A_175] {strides = array<i32>} : memref<120x144xf32, #tpu.memory_space<vmem>>, vector<1x16xf32>,
        %get3A_177 = vector.shape_cast %get3A_176 : vector<1x16xf32> to vector<16xf32>
        %mul3A_178 = arith.mulf %get3A_177, %gather3A_173 : vector<16xf32>
        %swap3A_179 = arith.index_cast %add3A_88 : i32 to index
        %swap3A_180 = arith.constant 64 : index
        %swap3A_181 = tpu.vector_load %arg13[%swap3A_179, %swap3A_180] {strides = array<i32>} : memref<120x144xf32, #tpu.memory_space<vmem>>, vector<1x16xf32>,
        %swap3A_182 = vector.shape_cast %swap3A_181 : vector<1x16xf32> to vector<16xf32>
        %swap3A_183 = vector.shape_cast %mul3A_178 : vector<16xf32> to vector<1x16xf32>
        tpu.vector_store %arg13[%swap3A_179, %swap3A_180], %swap3A_183 {strides = array<i32>} : memref<120x144xf32, #tpu.memory_space<vmem>>, vector<1x16xf32>,
        %broadcast_in_dim3A_184 = arith.constant 5 : i32
        %broadcast_in_dim3A_185 = vector.broadcast %broadcast_in_dim3A_184 : i32 to vector<16xi32>
        %broadcast_in_dim3A_186 = vector.shape_cast %broadcast_in_dim3A_185 : vector<16xi32> to vector<16x1xi32>
        %gather3A_187 = vector.shape_cast %broadcast_in_dim3A_186 : vector<16x1xi32> to vector<16xi32>
        %gather3A_188 = tpu.dynamic_gather %exp3A[%gather3A_187] in [0] : vector<16xf32>, vector<16xi32> -> vector<16xf32>
        %get3A_189 = arith.index_cast %add3A_88 : i32 to index
        %get3A_190 = arith.constant 80 : index
        %get3A_191 = tpu.vector_load %arg13[%get3A_189, %get3A_190] {strides = array<i32>} : memref<120x144xf32, #tpu.memory_space<vmem>>, vector<1x16xf32>,
        %get3A_192 = vector.shape_cast %get3A_191 : vector<1x16xf32> to vector<16xf32>
        %mul3A_193 = arith.mulf %get3A_192, %gather3A_188 : vector<16xf32>
        %swap3A_194 = arith.index_cast %add3A_88 : i32 to index
        %swap3A_195 = arith.constant 80 : index
        %swap3A_196 = tpu.vector_load %arg13[%swap3A_194, %swap3A_195] {strides = array<i32>} : memref<120x144xf32, #tpu.memory_space<vmem>>, vector<1x16xf32>,
        %swap3A_197 = vector.shape_cast %swap3A_196 : vector<1x16xf32> to vector<16xf32>
        %swap3A_198 = vector.shape_cast %mul3A_193 : vector<16xf32> to vector<1x16xf32>
        tpu.vector_store %arg13[%swap3A_194, %swap3A_195], %swap3A_198 {strides = array<i32>} : memref<120x144xf32, #tpu.memory_space<vmem>>, vector<1x16xf32>,
        %broadcast_in_dim3A_199 = arith.constant 6 : i32
        %broadcast_in_dim3A_200 = vector.broadcast %broadcast_in_dim3A_199 : i32 to vector<16xi32>
        %broadcast_in_dim3A_201 = vector.shape_cast %broadcast_in_dim3A_200 : vector<16xi32> to vector<16x1xi32>
        %gather3A_202 = vector.shape_cast %broadcast_in_dim3A_201 : vector<16x1xi32> to vector<16xi32>
        %gather3A_203 = tpu.dynamic_gather %exp3A[%gather3A_202] in [0] : vector<16xf32>, vector<16xi32> -> vector<16xf32>
        %get3A_204 = arith.index_cast %add3A_88 : i32 to index
        %get3A_205 = arith.constant 96 : index
        %get3A_206 = tpu.vector_load %arg13[%get3A_204, %get3A_205] {strides = array<i32>} : memref<120x144xf32, #tpu.memory_space<vmem>>, vector<1x16xf32>,
        %get3A_207 = vector.shape_cast %get3A_206 : vector<1x16xf32> to vector<16xf32>
        %mul3A_208 = arith.mulf %get3A_207, %gather3A_203 : vector<16xf32>
        %swap3A_209 = arith.index_cast %add3A_88 : i32 to index
        %swap3A_210 = arith.constant 96 : index
        %swap3A_211 = tpu.vector_load %arg13[%swap3A_209, %swap3A_210] {strides = array<i32>} : memref<120x144xf32, #tpu.memory_space<vmem>>, vector<1x16xf32>,
        %swap3A_212 = vector.shape_cast %swap3A_211 : vector<1x16xf32> to vector<16xf32>
        %swap3A_213 = vector.shape_cast %mul3A_208 : vector<16xf32> to vector<1x16xf32>
        tpu.vector_store %arg13[%swap3A_209, %swap3A_210], %swap3A_213 {strides = array<i32>} : memref<120x144xf32, #tpu.memory_space<vmem>>, vector<1x16xf32>,
        %broadcast_in_dim3A_214 = arith.constant 7 : i32
        %broadcast_in_dim3A_215 = vector.broadcast %broadcast_in_dim3A_214 : i32 to vector<16xi32>
        %broadcast_in_dim3A_216 = vector.shape_cast %broadcast_in_dim3A_215 : vector<16xi32> to vector<16x1xi32>
        %gather3A_217 = vector.shape_cast %broadcast_in_dim3A_216 : vector<16x1xi32> to vector<16xi32>
        %gather3A_218 = tpu.dynamic_gather %exp3A[%gather3A_217] in [0] : vector<16xf32>, vector<16xi32> -> vector<16xf32>
        %get3A_219 = arith.index_cast %add3A_88 : i32 to index
        %get3A_220 = arith.constant 112 : index
        %get3A_221 = tpu.vector_load %arg13[%get3A_219, %get3A_220] {strides = array<i32>} : memref<120x144xf32, #tpu.memory_space<vmem>>, vector<1x16xf32>,
        %get3A_222 = vector.shape_cast %get3A_221 : vector<1x16xf32> to vector<16xf32>
        %mul3A_223 = arith.mulf %get3A_222, %gather3A_218 : vector<16xf32>
        %swap3A_224 = arith.index_cast %add3A_88 : i32 to index
        %swap3A_225 = arith.constant 112 : index
        %swap3A_226 = tpu.vector_load %arg13[%swap3A_224, %swap3A_225] {strides = array<i32>} : memref<120x144xf32, #tpu.memory_space<vmem>>, vector<1x16xf32>,
        %swap3A_227 = vector.shape_cast %swap3A_226 : vector<1x16xf32> to vector<16xf32>
        %swap3A_228 = vector.shape_cast %mul3A_223 : vector<16xf32> to vector<1x16xf32>
        tpu.vector_store %arg13[%swap3A_224, %swap3A_225], %swap3A_228 {strides = array<i32>} : memref<120x144xf32, #tpu.memory_space<vmem>>, vector<1x16xf32>,
      }
      %scan3A_61 = arith.constant 120 : i32
      "tpu.region"() ({
        %run_scoped3A = tpu.sem_alloc : memref<!tpu.dma_semaphore, #tpu.memory_space<semaphore_mem>>
        %dma_start3A_84 = arith.constant 0 : i32
        %dma_start3A_85 = arith.constant 0 : i32
        %dma_start3A_86 = tpu.memref_slice %arg18[%dma_start3A_84, %dma_start3A_85] : memref<10000x144xf32, #tpu.memory_space<vmem_shared>> -> memref<10000x144xf32, #tpu.memory_space<vmem_shared>>
        tpu.enqueue_indirect_dma source(%arg13 : memref<120x144xf32, #tpu.memory_space<vmem>>) target(%dma_start3A_86 : memref<10000x144xf32, #tpu.memory_space<vmem_shared>>) offsets(%arg11 : memref<120xi32, #tpu.memory_space<vmem>>) semaphore(%run_scoped3A : memref<!tpu.dma_semaphore, #tpu.memory_space<semaphore_mem>>) {add = true}
        %dma_wait3A_87 = arith.constant 0 : i32
        %dma_wait3A_88 = arith.constant 0 : i32
        %dma_wait3A_89 = tpu.memref_slice %arg18[%dma_wait3A_87, %dma_wait3A_88] : memref<10000x144xf32, #tpu.memory_space<vmem_shared>> -> memref<10000x144xf32, #tpu.memory_space<vmem_shared>>
        tpu.wait_indirect_dma semaphore(%run_scoped3A : memref<!tpu.dma_semaphore, #tpu.memory_space<semaphore_mem>>) src(%arg13 : memref<120x144xf32, #tpu.memory_space<vmem>>) dst(%dma_wait3A_89 : memref<10000x144xf32, #tpu.memory_space<vmem_shared>>)
        tpu.yield
      }) : () -> ()
      %mul3A_62 = arith.constant 2 : i32
      %mul3A_63 = arith.muli %add3A_41, %mul3A_62 : i32
      %add3A_64 = arith.constant 1 : i32
      %add3A_65 = arith.addi %mul3A_63, %add3A_64 : i32
      %add3A_66 = arith.constant 1 : i32
      %add3A_67 = arith.addi %add3A_65, %add3A_66 : i32
      %lt3A_68 = arith.constant 86 : i32
      %lt3A_69 = arith.cmpi slt, %add3A_67, %lt3A_68 : i32
      %convert_element_type3A_70 = arith.extui %lt3A_69 : i1 to i32
      %cond3A_71 = arith.constant 0 : i32
      %cond3A_72 = arith.cmpi ne, %convert_element_type3A_70, %cond3A_71 : i32
      scf.if %cond3A_72 {
        %add3A_84 = arith.constant 1 : i32
        %add3A_85 = arith.addi %add3A_65, %add3A_84 : i32
        %mul3A_86 = arith.constant 120 : i32
        %mul3A_87 = arith.muli %add3A_85, %mul3A_86 : i32
        %add3A_88 = arith.addi %mul3A_15, %mul3A_87 : i32
        "tpu.region"() ({
          %run_scoped3A = tpu.sem_alloc : memref<!tpu.dma_semaphore, #tpu.memory_space<semaphore_mem>>
          %dma_start3A_95 = tpu.memref_slice %arg5[%add3A_88] : memref<330240xi32, #tpu.memory_space<hbm>> -> memref<120xi32, #tpu.memory_space<hbm>>
          %dma_start3A_96 = tpu.memref_slice %arg5[%add3A_88] : memref<330240xi32, #tpu.memory_space<hbm>> -> memref<120xi32, #tpu.memory_space<hbm>>
          tpu.enqueue_dma source(%dma_start3A_96 : memref<120xi32, #tpu.memory_space<hbm>>) target(%arg9 : memref<120xi32, #tpu.memory_space<vmem>>) target_semaphore(%run_scoped3A : memref<!tpu.dma_semaphore, #tpu.memory_space<semaphore_mem>>)
          %dma_wait3A_97 = tpu.memref_slice %arg5[%add3A_88] : memref<330240xi32, #tpu.memory_space<hbm>> -> memref<120xi32, #tpu.memory_space<hbm>>
          %dma_wait3A_98 = tpu.memref_slice %arg5[%add3A_88] : memref<330240xi32, #tpu.memory_space<hbm>> -> memref<120xi32, #tpu.memory_space<hbm>>
          tpu.wait_dma2 semaphore(%run_scoped3A : memref<!tpu.dma_semaphore, #tpu.memory_space<semaphore_mem>>) src(%dma_wait3A_98 : memref<120xi32, #tpu.memory_space<hbm>>) dst(%arg9 : memref<120xi32, #tpu.memory_space<vmem>>)
          tpu.yield
        }) : () -> ()
        "tpu.region"() ({
          %run_scoped3A = tpu.sem_alloc : memref<!tpu.dma_semaphore, #tpu.memory_space<semaphore_mem>>
          %dma_start3A_95 = tpu.memref_slice %arg6[%add3A_88] : memref<330240xi32, #tpu.memory_space<hbm>> -> memref<120xi32, #tpu.memory_space<hbm>>
          %dma_start3A_96 = tpu.memref_slice %arg6[%add3A_88] : memref<330240xi32, #tpu.memory_space<hbm>> -> memref<120xi32, #tpu.memory_space<hbm>>
          tpu.enqueue_dma source(%dma_start3A_96 : memref<120xi32, #tpu.memory_space<hbm>>) target(%arg11 : memref<120xi32, #tpu.memory_space<vmem>>) target_semaphore(%run_scoped3A : memref<!tpu.dma_semaphore, #tpu.memory_space<semaphore_mem>>)
          %dma_wait3A_97 = tpu.memref_slice %arg6[%add3A_88] : memref<330240xi32, #tpu.memory_space<hbm>> -> memref<120xi32, #tpu.memory_space<hbm>>
          %dma_wait3A_98 = tpu.memref_slice %arg6[%add3A_88] : memref<330240xi32, #tpu.memory_space<hbm>> -> memref<120xi32, #tpu.memory_space<hbm>>
          tpu.wait_dma2 semaphore(%run_scoped3A : memref<!tpu.dma_semaphore, #tpu.memory_space<semaphore_mem>>) src(%dma_wait3A_98 : memref<120xi32, #tpu.memory_space<hbm>>) dst(%arg11 : memref<120xi32, #tpu.memory_space<vmem>>)
          tpu.yield
        }) : () -> ()
        %dma_start3A_89 = arith.constant 0 : i32
        %dma_start3A_90 = arith.constant 0 : i32
        %dma_start3A_91 = tpu.memref_slice %arg2[%dma_start3A_89, %dma_start3A_90] : memref<10001x144xf32, #tpu.memory_space<hbm>> -> memref<10001x144xf32, #tpu.memory_space<hbm>>
        tpu.enqueue_indirect_dma source(%dma_start3A_91 : memref<10001x144xf32, #tpu.memory_space<hbm>>) target(%arg13 : memref<120x144xf32, #tpu.memory_space<vmem>>) offsets(%arg9 : memref<120xi32, #tpu.memory_space<vmem>>) semaphore(%arg19 : memref<!tpu.dma_semaphore, #tpu.memory_space<semaphore_mem>>)
        %dma_start3A_92 = arith.constant 0 : i32
        %dma_start3A_93 = arith.constant 0 : i32
        %dma_start3A_94 = tpu.memref_slice %arg3[%dma_start3A_92, %dma_start3A_93] : memref<10000x16xf32, #tpu.memory_space<hbm>> -> memref<10000x16xf32, #tpu.memory_space<hbm>>
        tpu.enqueue_indirect_dma source(%dma_start3A_94 : memref<10000x16xf32, #tpu.memory_space<hbm>>) target(%arg15 : memref<120x16xf32, #tpu.memory_space<vmem>>) offsets(%arg11 : memref<120xi32, #tpu.memory_space<vmem>>) semaphore(%arg21 : memref<!tpu.dma_semaphore, #tpu.memory_space<semaphore_mem>>)
      } else {
      }
      %dma_wait3A_73 = arith.constant 0 : i32
      %dma_wait3A_74 = arith.constant 0 : i32
      %dma_wait3A_75 = tpu.memref_slice %arg2[%dma_wait3A_73, %dma_wait3A_74] : memref<10001x144xf32, #tpu.memory_space<hbm>> -> memref<10001x144xf32, #tpu.memory_space<hbm>>
      tpu.wait_indirect_dma semaphore(%arg20 : memref<!tpu.dma_semaphore, #tpu.memory_space<semaphore_mem>>) src(%dma_wait3A_75 : memref<10001x144xf32, #tpu.memory_space<hbm>>) dst(%arg14 : memref<120x144xf32, #tpu.memory_space<vmem>>)
      %dma_wait3A_76 = arith.constant 0 : i32
      %dma_wait3A_77 = arith.constant 0 : i32
      %dma_wait3A_78 = tpu.memref_slice %arg3[%dma_wait3A_76, %dma_wait3A_77] : memref<10000x16xf32, #tpu.memory_space<hbm>> -> memref<10000x16xf32, #tpu.memory_space<hbm>>
      tpu.wait_indirect_dma semaphore(%arg22 : memref<!tpu.dma_semaphore, #tpu.memory_space<semaphore_mem>>) src(%dma_wait3A_78 : memref<10000x16xf32, #tpu.memory_space<hbm>>) dst(%arg16 : memref<120x16xf32, #tpu.memory_space<vmem>>)
      %scan3A_79 = arith.constant 0 : i32
      %scan3A_80 = arith.constant 120 : i32
      %scan3A_81 = arith.addi %scan3A_79, %scan3A_80 : i32
      %scan3A_82 = arith.constant 1 : i32
      scf.for %scan3A_84 = %scan3A_79 to %scan3A_81 step %scan3A_82  : i32 {
        %mul3A_85 = arith.constant 1 : i32
        %mul3A_86 = arith.muli %scan3A_84, %mul3A_85 : i32
        %add3A_87 = arith.constant 0 : i32
        %add3A_88 = arith.addi %add3A_87, %mul3A_86 : i32
        %get3A_89 = arith.index_cast %add3A_88 : i32 to index
        %get3A_90 = arith.constant 128 : index
        %get3A_91 = tpu.vector_load %arg14[%get3A_89, %get3A_90] {strides = array<i32>} : memref<120x144xf32, #tpu.memory_space<vmem>>, vector<1x16xf32>,
        %get3A_92 = vector.shape_cast %get3A_91 : vector<1x16xf32> to vector<16xf32>
        %get3A_93 = arith.index_cast %add3A_88 : i32 to index
        %get3A_94 = arith.constant 0 : index
        %get3A_95 = tpu.vector_load %arg16[%get3A_93, %get3A_94] {strides = array<i32>} : memref<120x16xf32, #tpu.memory_space<vmem>>, vector<1x16xf32>,
        %get3A_96 = vector.shape_cast %get3A_95 : vector<1x16xf32> to vector<16xf32>
        %add3A_97 = arith.addf %get3A_96, %get3A_8 : vector<16xf32>
        %add3A_98 = arith.addf %get3A_92, %add3A_97 : vector<16xf32>
        %gt3A = arith.constant 0.000000e+00 : f32
        %gt3A_99 = vector.broadcast %gt3A : f32 to vector<16xf32>
        %gt3A_100 = arith.cmpf ogt, %add3A_98, %gt3A_99 : vector<16xf32>
        %mul3A_101 = arith.constant 2.000000e-01 : f32
        %mul3A_102 = vector.broadcast %mul3A_101 : f32 to vector<16xf32>
        %mul3A_103 = arith.mulf %add3A_98, %mul3A_102 : vector<16xf32>
        %select_n3A = arith.select %gt3A_100, %add3A_98, %mul3A_103 : vector<16xi1>, vector<16xf32>
        %broadcast_in_dim3A = vector.shape_cast %add3A_13 : vector<16xi32> to vector<16x1xi32>
        %gather3A = vector.shape_cast %broadcast_in_dim3A : vector<16x1xi32> to vector<16xi32>
        %gather3A_104 = tpu.dynamic_gather %select_n3A[%gather3A] in [0] : vector<16xf32>, vector<16xi32> -> vector<16xf32>
        %sub3A = arith.subf %select_n3A, %gather3A_104 : vector<16xf32>
        %exp3A = math.exp %sub3A : vector<16xf32>
        %swap3A = arith.index_cast %add3A_88 : i32 to index
        %swap3A_105 = arith.constant 128 : index
        %swap3A_106 = tpu.vector_load %arg14[%swap3A, %swap3A_105] {strides = array<i32>} : memref<120x144xf32, #tpu.memory_space<vmem>>, vector<1x16xf32>,
        %swap3A_107 = vector.shape_cast %swap3A_106 : vector<1x16xf32> to vector<16xf32>
        %swap3A_108 = vector.shape_cast %exp3A : vector<16xf32> to vector<1x16xf32>
        tpu.vector_store %arg14[%swap3A, %swap3A_105], %swap3A_108 {strides = array<i32>} : memref<120x144xf32, #tpu.memory_space<vmem>>, vector<1x16xf32>,
        %broadcast_in_dim3A_109 = arith.constant 0 : i32
        %broadcast_in_dim3A_110 = vector.broadcast %broadcast_in_dim3A_109 : i32 to vector<16xi32>
        %broadcast_in_dim3A_111 = vector.shape_cast %broadcast_in_dim3A_110 : vector<16xi32> to vector<16x1xi32>
        %gather3A_112 = vector.shape_cast %broadcast_in_dim3A_111 : vector<16x1xi32> to vector<16xi32>
        %gather3A_113 = tpu.dynamic_gather %exp3A[%gather3A_112] in [0] : vector<16xf32>, vector<16xi32> -> vector<16xf32>
        %get3A_114 = arith.index_cast %add3A_88 : i32 to index
        %get3A_115 = arith.constant 0 : index
        %get3A_116 = tpu.vector_load %arg14[%get3A_114, %get3A_115] {strides = array<i32>} : memref<120x144xf32, #tpu.memory_space<vmem>>, vector<1x16xf32>,
        %get3A_117 = vector.shape_cast %get3A_116 : vector<1x16xf32> to vector<16xf32>
        %mul3A_118 = arith.mulf %get3A_117, %gather3A_113 : vector<16xf32>
        %swap3A_119 = arith.index_cast %add3A_88 : i32 to index
        %swap3A_120 = arith.constant 0 : index
        %swap3A_121 = tpu.vector_load %arg14[%swap3A_119, %swap3A_120] {strides = array<i32>} : memref<120x144xf32, #tpu.memory_space<vmem>>, vector<1x16xf32>,
        %swap3A_122 = vector.shape_cast %swap3A_121 : vector<1x16xf32> to vector<16xf32>
        %swap3A_123 = vector.shape_cast %mul3A_118 : vector<16xf32> to vector<1x16xf32>
        tpu.vector_store %arg14[%swap3A_119, %swap3A_120], %swap3A_123 {strides = array<i32>} : memref<120x144xf32, #tpu.memory_space<vmem>>, vector<1x16xf32>,
        %broadcast_in_dim3A_124 = arith.constant 1 : i32
        %broadcast_in_dim3A_125 = vector.broadcast %broadcast_in_dim3A_124 : i32 to vector<16xi32>
        %broadcast_in_dim3A_126 = vector.shape_cast %broadcast_in_dim3A_125 : vector<16xi32> to vector<16x1xi32>
        %gather3A_127 = vector.shape_cast %broadcast_in_dim3A_126 : vector<16x1xi32> to vector<16xi32>
        %gather3A_128 = tpu.dynamic_gather %exp3A[%gather3A_127] in [0] : vector<16xf32>, vector<16xi32> -> vector<16xf32>
        %get3A_129 = arith.index_cast %add3A_88 : i32 to index
        %get3A_130 = arith.constant 16 : index
        %get3A_131 = tpu.vector_load %arg14[%get3A_129, %get3A_130] {strides = array<i32>} : memref<120x144xf32, #tpu.memory_space<vmem>>, vector<1x16xf32>,
        %get3A_132 = vector.shape_cast %get3A_131 : vector<1x16xf32> to vector<16xf32>
        %mul3A_133 = arith.mulf %get3A_132, %gather3A_128 : vector<16xf32>
        %swap3A_134 = arith.index_cast %add3A_88 : i32 to index
        %swap3A_135 = arith.constant 16 : index
        %swap3A_136 = tpu.vector_load %arg14[%swap3A_134, %swap3A_135] {strides = array<i32>} : memref<120x144xf32, #tpu.memory_space<vmem>>, vector<1x16xf32>,
        %swap3A_137 = vector.shape_cast %swap3A_136 : vector<1x16xf32> to vector<16xf32>
        %swap3A_138 = vector.shape_cast %mul3A_133 : vector<16xf32> to vector<1x16xf32>
        tpu.vector_store %arg14[%swap3A_134, %swap3A_135], %swap3A_138 {strides = array<i32>} : memref<120x144xf32, #tpu.memory_space<vmem>>, vector<1x16xf32>,
        %broadcast_in_dim3A_139 = arith.constant 2 : i32
        %broadcast_in_dim3A_140 = vector.broadcast %broadcast_in_dim3A_139 : i32 to vector<16xi32>
        %broadcast_in_dim3A_141 = vector.shape_cast %broadcast_in_dim3A_140 : vector<16xi32> to vector<16x1xi32>
        %gather3A_142 = vector.shape_cast %broadcast_in_dim3A_141 : vector<16x1xi32> to vector<16xi32>
        %gather3A_143 = tpu.dynamic_gather %exp3A[%gather3A_142] in [0] : vector<16xf32>, vector<16xi32> -> vector<16xf32>
        %get3A_144 = arith.index_cast %add3A_88 : i32 to index
        %get3A_145 = arith.constant 32 : index
        %get3A_146 = tpu.vector_load %arg14[%get3A_144, %get3A_145] {strides = array<i32>} : memref<120x144xf32, #tpu.memory_space<vmem>>, vector<1x16xf32>,
        %get3A_147 = vector.shape_cast %get3A_146 : vector<1x16xf32> to vector<16xf32>
        %mul3A_148 = arith.mulf %get3A_147, %gather3A_143 : vector<16xf32>
        %swap3A_149 = arith.index_cast %add3A_88 : i32 to index
        %swap3A_150 = arith.constant 32 : index
        %swap3A_151 = tpu.vector_load %arg14[%swap3A_149, %swap3A_150] {strides = array<i32>} : memref<120x144xf32, #tpu.memory_space<vmem>>, vector<1x16xf32>,
        %swap3A_152 = vector.shape_cast %swap3A_151 : vector<1x16xf32> to vector<16xf32>
        %swap3A_153 = vector.shape_cast %mul3A_148 : vector<16xf32> to vector<1x16xf32>
        tpu.vector_store %arg14[%swap3A_149, %swap3A_150], %swap3A_153 {strides = array<i32>} : memref<120x144xf32, #tpu.memory_space<vmem>>, vector<1x16xf32>,
        %broadcast_in_dim3A_154 = arith.constant 3 : i32
        %broadcast_in_dim3A_155 = vector.broadcast %broadcast_in_dim3A_154 : i32 to vector<16xi32>
        %broadcast_in_dim3A_156 = vector.shape_cast %broadcast_in_dim3A_155 : vector<16xi32> to vector<16x1xi32>
        %gather3A_157 = vector.shape_cast %broadcast_in_dim3A_156 : vector<16x1xi32> to vector<16xi32>
        %gather3A_158 = tpu.dynamic_gather %exp3A[%gather3A_157] in [0] : vector<16xf32>, vector<16xi32> -> vector<16xf32>
        %get3A_159 = arith.index_cast %add3A_88 : i32 to index
        %get3A_160 = arith.constant 48 : index
        %get3A_161 = tpu.vector_load %arg14[%get3A_159, %get3A_160] {strides = array<i32>} : memref<120x144xf32, #tpu.memory_space<vmem>>, vector<1x16xf32>,
        %get3A_162 = vector.shape_cast %get3A_161 : vector<1x16xf32> to vector<16xf32>
        %mul3A_163 = arith.mulf %get3A_162, %gather3A_158 : vector<16xf32>
        %swap3A_164 = arith.index_cast %add3A_88 : i32 to index
        %swap3A_165 = arith.constant 48 : index
        %swap3A_166 = tpu.vector_load %arg14[%swap3A_164, %swap3A_165] {strides = array<i32>} : memref<120x144xf32, #tpu.memory_space<vmem>>, vector<1x16xf32>,
        %swap3A_167 = vector.shape_cast %swap3A_166 : vector<1x16xf32> to vector<16xf32>
        %swap3A_168 = vector.shape_cast %mul3A_163 : vector<16xf32> to vector<1x16xf32>
        tpu.vector_store %arg14[%swap3A_164, %swap3A_165], %swap3A_168 {strides = array<i32>} : memref<120x144xf32, #tpu.memory_space<vmem>>, vector<1x16xf32>,
        %broadcast_in_dim3A_169 = arith.constant 4 : i32
        %broadcast_in_dim3A_170 = vector.broadcast %broadcast_in_dim3A_169 : i32 to vector<16xi32>
        %broadcast_in_dim3A_171 = vector.shape_cast %broadcast_in_dim3A_170 : vector<16xi32> to vector<16x1xi32>
        %gather3A_172 = vector.shape_cast %broadcast_in_dim3A_171 : vector<16x1xi32> to vector<16xi32>
        %gather3A_173 = tpu.dynamic_gather %exp3A[%gather3A_172] in [0] : vector<16xf32>, vector<16xi32> -> vector<16xf32>
        %get3A_174 = arith.index_cast %add3A_88 : i32 to index
        %get3A_175 = arith.constant 64 : index
        %get3A_176 = tpu.vector_load %arg14[%get3A_174, %get3A_175] {strides = array<i32>} : memref<120x144xf32, #tpu.memory_space<vmem>>, vector<1x16xf32>,
        %get3A_177 = vector.shape_cast %get3A_176 : vector<1x16xf32> to vector<16xf32>
        %mul3A_178 = arith.mulf %get3A_177, %gather3A_173 : vector<16xf32>
        %swap3A_179 = arith.index_cast %add3A_88 : i32 to index
        %swap3A_180 = arith.constant 64 : index
        %swap3A_181 = tpu.vector_load %arg14[%swap3A_179, %swap3A_180] {strides = array<i32>} : memref<120x144xf32, #tpu.memory_space<vmem>>, vector<1x16xf32>,
        %swap3A_182 = vector.shape_cast %swap3A_181 : vector<1x16xf32> to vector<16xf32>
        %swap3A_183 = vector.shape_cast %mul3A_178 : vector<16xf32> to vector<1x16xf32>
        tpu.vector_store %arg14[%swap3A_179, %swap3A_180], %swap3A_183 {strides = array<i32>} : memref<120x144xf32, #tpu.memory_space<vmem>>, vector<1x16xf32>,
        %broadcast_in_dim3A_184 = arith.constant 5 : i32
        %broadcast_in_dim3A_185 = vector.broadcast %broadcast_in_dim3A_184 : i32 to vector<16xi32>
        %broadcast_in_dim3A_186 = vector.shape_cast %broadcast_in_dim3A_185 : vector<16xi32> to vector<16x1xi32>
        %gather3A_187 = vector.shape_cast %broadcast_in_dim3A_186 : vector<16x1xi32> to vector<16xi32>
        %gather3A_188 = tpu.dynamic_gather %exp3A[%gather3A_187] in [0] : vector<16xf32>, vector<16xi32> -> vector<16xf32>
        %get3A_189 = arith.index_cast %add3A_88 : i32 to index
        %get3A_190 = arith.constant 80 : index
        %get3A_191 = tpu.vector_load %arg14[%get3A_189, %get3A_190] {strides = array<i32>} : memref<120x144xf32, #tpu.memory_space<vmem>>, vector<1x16xf32>,
        %get3A_192 = vector.shape_cast %get3A_191 : vector<1x16xf32> to vector<16xf32>
        %mul3A_193 = arith.mulf %get3A_192, %gather3A_188 : vector<16xf32>
        %swap3A_194 = arith.index_cast %add3A_88 : i32 to index
        %swap3A_195 = arith.constant 80 : index
        %swap3A_196 = tpu.vector_load %arg14[%swap3A_194, %swap3A_195] {strides = array<i32>} : memref<120x144xf32, #tpu.memory_space<vmem>>, vector<1x16xf32>,
        %swap3A_197 = vector.shape_cast %swap3A_196 : vector<1x16xf32> to vector<16xf32>
        %swap3A_198 = vector.shape_cast %mul3A_193 : vector<16xf32> to vector<1x16xf32>
        tpu.vector_store %arg14[%swap3A_194, %swap3A_195], %swap3A_198 {strides = array<i32>} : memref<120x144xf32, #tpu.memory_space<vmem>>, vector<1x16xf32>,
        %broadcast_in_dim3A_199 = arith.constant 6 : i32
        %broadcast_in_dim3A_200 = vector.broadcast %broadcast_in_dim3A_199 : i32 to vector<16xi32>
        %broadcast_in_dim3A_201 = vector.shape_cast %broadcast_in_dim3A_200 : vector<16xi32> to vector<16x1xi32>
        %gather3A_202 = vector.shape_cast %broadcast_in_dim3A_201 : vector<16x1xi32> to vector<16xi32>
        %gather3A_203 = tpu.dynamic_gather %exp3A[%gather3A_202] in [0] : vector<16xf32>, vector<16xi32> -> vector<16xf32>
        %get3A_204 = arith.index_cast %add3A_88 : i32 to index
        %get3A_205 = arith.constant 96 : index
        %get3A_206 = tpu.vector_load %arg14[%get3A_204, %get3A_205] {strides = array<i32>} : memref<120x144xf32, #tpu.memory_space<vmem>>, vector<1x16xf32>,
        %get3A_207 = vector.shape_cast %get3A_206 : vector<1x16xf32> to vector<16xf32>
        %mul3A_208 = arith.mulf %get3A_207, %gather3A_203 : vector<16xf32>
        %swap3A_209 = arith.index_cast %add3A_88 : i32 to index
        %swap3A_210 = arith.constant 96 : index
        %swap3A_211 = tpu.vector_load %arg14[%swap3A_209, %swap3A_210] {strides = array<i32>} : memref<120x144xf32, #tpu.memory_space<vmem>>, vector<1x16xf32>,
        %swap3A_212 = vector.shape_cast %swap3A_211 : vector<1x16xf32> to vector<16xf32>
        %swap3A_213 = vector.shape_cast %mul3A_208 : vector<16xf32> to vector<1x16xf32>
        tpu.vector_store %arg14[%swap3A_209, %swap3A_210], %swap3A_213 {strides = array<i32>} : memref<120x144xf32, #tpu.memory_space<vmem>>, vector<1x16xf32>,
        %broadcast_in_dim3A_214 = arith.constant 7 : i32
        %broadcast_in_dim3A_215 = vector.broadcast %broadcast_in_dim3A_214 : i32 to vector<16xi32>
        %broadcast_in_dim3A_216 = vector.shape_cast %broadcast_in_dim3A_215 : vector<16xi32> to vector<16x1xi32>
        %gather3A_217 = vector.shape_cast %broadcast_in_dim3A_216 : vector<16x1xi32> to vector<16xi32>
        %gather3A_218 = tpu.dynamic_gather %exp3A[%gather3A_217] in [0] : vector<16xf32>, vector<16xi32> -> vector<16xf32>
        %get3A_219 = arith.index_cast %add3A_88 : i32 to index
        %get3A_220 = arith.constant 112 : index
        %get3A_221 = tpu.vector_load %arg14[%get3A_219, %get3A_220] {strides = array<i32>} : memref<120x144xf32, #tpu.memory_space<vmem>>, vector<1x16xf32>,
        %get3A_222 = vector.shape_cast %get3A_221 : vector<1x16xf32> to vector<16xf32>
        %mul3A_223 = arith.mulf %get3A_222, %gather3A_218 : vector<16xf32>
        %swap3A_224 = arith.index_cast %add3A_88 : i32 to index
        %swap3A_225 = arith.constant 112 : index
        %swap3A_226 = tpu.vector_load %arg14[%swap3A_224, %swap3A_225] {strides = array<i32>} : memref<120x144xf32, #tpu.memory_space<vmem>>, vector<1x16xf32>,
        %swap3A_227 = vector.shape_cast %swap3A_226 : vector<1x16xf32> to vector<16xf32>
        %swap3A_228 = vector.shape_cast %mul3A_223 : vector<16xf32> to vector<1x16xf32>
        tpu.vector_store %arg14[%swap3A_224, %swap3A_225], %swap3A_228 {strides = array<i32>} : memref<120x144xf32, #tpu.memory_space<vmem>>, vector<1x16xf32>,
      }
      %scan3A_83 = arith.constant 120 : i32
      "tpu.region"() ({
        %run_scoped3A = tpu.sem_alloc : memref<!tpu.dma_semaphore, #tpu.memory_space<semaphore_mem>>
        %dma_start3A_84 = arith.constant 0 : i32
        %dma_start3A_85 = arith.constant 0 : i32
        %dma_start3A_86 = tpu.memref_slice %arg18[%dma_start3A_84, %dma_start3A_85] : memref<10000x144xf32, #tpu.memory_space<vmem_shared>> -> memref<10000x144xf32, #tpu.memory_space<vmem_shared>>
        tpu.enqueue_indirect_dma source(%arg14 : memref<120x144xf32, #tpu.memory_space<vmem>>) target(%dma_start3A_86 : memref<10000x144xf32, #tpu.memory_space<vmem_shared>>) offsets(%arg12 : memref<120xi32, #tpu.memory_space<vmem>>) semaphore(%run_scoped3A : memref<!tpu.dma_semaphore, #tpu.memory_space<semaphore_mem>>) {add = true}
        %dma_wait3A_87 = arith.constant 0 : i32
        %dma_wait3A_88 = arith.constant 0 : i32
        %dma_wait3A_89 = tpu.memref_slice %arg18[%dma_wait3A_87, %dma_wait3A_88] : memref<10000x144xf32, #tpu.memory_space<vmem_shared>> -> memref<10000x144xf32, #tpu.memory_space<vmem_shared>>
        tpu.wait_indirect_dma semaphore(%run_scoped3A : memref<!tpu.dma_semaphore, #tpu.memory_space<semaphore_mem>>) src(%arg14 : memref<120x144xf32, #tpu.memory_space<vmem>>) dst(%dma_wait3A_89 : memref<10000x144xf32, #tpu.memory_space<vmem_shared>>)
        tpu.yield
      }) : () -> ()
    }
    %scan3A_26 = arith.constant 43 : i32
    %barrier3A_27 = arith.constant 0 : index
    tpu.barrier barrier_id(%barrier3A_27)
    %mul3A_28 = arith.constant 624 : i32
    %mul3A_29 = arith.muli %arg1, %mul3A_28 : i32
    %mul3A_30 = arith.constant 624 : i32
    %mul3A_31 = arith.muli %arg1, %mul3A_30 : i32
    "tpu.region"() ({
      %run_scoped3A = tpu.sem_alloc : memref<!tpu.dma_semaphore, #tpu.memory_space<semaphore_mem>>
      %dma_start3A_37 = arith.constant 0 : i32
      %dma_start3A_38 = tpu.memref_slice %arg8[%arg0, %mul3A_31, %dma_start3A_37] : memref<2x10000x144xf32, #tpu.memory_space<hbm>> -> memref<1x624x144xf32, #tpu.memory_space<hbm>>
      %dma_start3A_39 = tpu.memref_squeeze %dma_start3A_38 : memref<1x624x144xf32, #tpu.memory_space<hbm>> -> memref<624x144xf32, #tpu.memory_space<hbm>>
      %dma_start3A_40 = arith.constant 0 : i32
      %dma_start3A_41 = tpu.memref_slice %arg18[%mul3A_29, %dma_start3A_40] : memref<10000x144xf32, #tpu.memory_space<vmem_shared>> -> memref<624x144xf32, #tpu.memory_space<vmem_shared>>
      tpu.enqueue_dma source(%dma_start3A_41 : memref<624x144xf32, #tpu.memory_space<vmem_shared>>) target(%dma_start3A_39 : memref<624x144xf32, #tpu.memory_space<hbm>>) target_semaphore(%run_scoped3A : memref<!tpu.dma_semaphore, #tpu.memory_space<semaphore_mem>>)
      %dma_wait3A = arith.constant 0 : i32
      %dma_wait3A_42 = tpu.memref_slice %arg8[%arg0, %mul3A_31, %dma_wait3A] : memref<2x10000x144xf32, #tpu.memory_space<hbm>> -> memref<1x624x144xf32, #tpu.memory_space<hbm>>
      %dma_wait3A_43 = tpu.memref_squeeze %dma_wait3A_42 : memref<1x624x144xf32, #tpu.memory_space<hbm>> -> memref<624x144xf32, #tpu.memory_space<hbm>>
      %dma_wait3A_44 = arith.constant 0 : i32
      %dma_wait3A_45 = tpu.memref_slice %arg18[%mul3A_29, %dma_wait3A_44] : memref<10000x144xf32, #tpu.memory_space<vmem_shared>> -> memref<624x144xf32, #tpu.memory_space<vmem_shared>>
      tpu.wait_dma2 semaphore(%run_scoped3A : memref<!tpu.dma_semaphore, #tpu.memory_space<semaphore_mem>>) src(%dma_wait3A_45 : memref<624x144xf32, #tpu.memory_space<vmem_shared>>) dst(%dma_wait3A_43 : memref<624x144xf32, #tpu.memory_space<hbm>>)
      tpu.yield
    }) : () -> ()
    %eq3A_32 = arith.constant 15 : i32
    %eq3A_33 = arith.cmpi eq, %arg1, %eq3A_32 : i32
    %convert_element_type3A_34 = arith.extui %eq3A_33 : i1 to i32
    %cond3A_35 = arith.constant 0 : i32
    %cond3A_36 = arith.cmpi ne, %convert_element_type3A_34, %cond3A_35 : i32
    scf.if %cond3A_36 {
      "tpu.region"() ({
        %run_scoped3A = tpu.sem_alloc : memref<!tpu.dma_semaphore, #tpu.memory_space<semaphore_mem>>
        %dma_start3A_37 = arith.constant 9984 : i32
        %dma_start3A_38 = arith.constant 0 : i32
        %dma_start3A_39 = tpu.memref_slice %arg8[%arg0, %dma_start3A_37, %dma_start3A_38] : memref<2x10000x144xf32, #tpu.memory_space<hbm>> -> memref<1x16x144xf32, #tpu.memory_space<hbm>>
        %dma_start3A_40 = tpu.memref_squeeze %dma_start3A_39 : memref<1x16x144xf32, #tpu.memory_space<hbm>> -> memref<16x144xf32, #tpu.memory_space<hbm>>
        %dma_start3A_41 = arith.constant 9984 : i32
        %dma_start3A_42 = arith.constant 0 : i32
        %dma_start3A_43 = tpu.memref_slice %arg18[%dma_start3A_41, %dma_start3A_42] : memref<10000x144xf32, #tpu.memory_space<vmem_shared>> -> memref<16x144xf32, #tpu.memory_space<vmem_shared>>
        tpu.enqueue_dma source(%dma_start3A_43 : memref<16x144xf32, #tpu.memory_space<vmem_shared>>) target(%dma_start3A_40 : memref<16x144xf32, #tpu.memory_space<hbm>>) target_semaphore(%run_scoped3A : memref<!tpu.dma_semaphore, #tpu.memory_space<semaphore_mem>>)
        %dma_wait3A = arith.constant 9984 : i32
        %dma_wait3A_44 = arith.constant 0 : i32
        %dma_wait3A_45 = tpu.memref_slice %arg8[%arg0, %dma_wait3A, %dma_wait3A_44] : memref<2x10000x144xf32, #tpu.memory_space<hbm>> -> memref<1x16x144xf32, #tpu.memory_space<hbm>>
        %dma_wait3A_46 = tpu.memref_squeeze %dma_wait3A_45 : memref<1x16x144xf32, #tpu.memory_space<hbm>> -> memref<16x144xf32, #tpu.memory_space<hbm>>
        %dma_wait3A_47 = arith.constant 9984 : i32
        %dma_wait3A_48 = arith.constant 0 : i32
        %dma_wait3A_49 = tpu.memref_slice %arg18[%dma_wait3A_47, %dma_wait3A_48] : memref<10000x144xf32, #tpu.memory_space<vmem_shared>> -> memref<16x144xf32, #tpu.memory_space<vmem_shared>>
        tpu.wait_dma2 semaphore(%run_scoped3A : memref<!tpu.dma_semaphore, #tpu.memory_space<semaphore_mem>>) src(%dma_wait3A_49 : memref<16x144xf32, #tpu.memory_space<vmem_shared>>) dst(%dma_wait3A_46 : memref<16x144xf32, #tpu.memory_space<hbm>>)
        tpu.yield
      }) : () -> ()
    } else {
    }
    return
  }
}

module attributes {stable_mosaic.version = 14 : i64} {
  func.func @_prep_body(%arg0: i32, %arg1: memref<1000x128xf32, #tpu.memory_space<vmem>>, %arg2: memref<128x128xf32, #tpu.memory_space<vmem>>, %arg3: memref<128x32xf32, #tpu.memory_space<vmem>>, %arg4: memref<1000x144xf32, #tpu.memory_space<vmem>>, %arg5: memref<1000x16xf32, #tpu.memory_space<vmem>>, %arg6: memref<1x16xf32, #tpu.memory_space<vmem>>, %arg7: memref<1x16xf32, #tpu.memory_space<vmem>>) attributes {dimension_semantics = [#tpu.dimension_semantics<arbitrary>], iteration_bounds = array<i64: 10>, scalar_prefetch = 0 : i64, scratch_operands = 1 : i64, tpu.core_type = #tpu.core_type<tc>, window_params = [{transform_indices = @transform_0, window_bounds = array<i64: 1000, 128>}, {pipeline_mode = #tpu.pipeline_mode<synchronous>, transform_indices = @transform_1, window_bounds = array<i64: 128, 128>}, {pipeline_mode = #tpu.pipeline_mode<synchronous>, transform_indices = @transform_2, window_bounds = array<i64: 128, 32>}, {transform_indices = @transform_3, window_bounds = array<i64: 1000, 144>}, {transform_indices = @transform_4, window_bounds = array<i64: 1000, 16>}, {pipeline_mode = #tpu.pipeline_mode<synchronous>, transform_indices = @transform_5, window_bounds = array<i64: 1, 16>}]} {
    %get3A = arith.constant 0 : index
    %get3A_0 = arith.constant 0 : index
    %get3A_1 = vector.load %arg1[%get3A, %get3A_0] : memref<1000x128xf32, #tpu.memory_space<vmem>>, vector<1000x128xf32>
    %get3A_2 = arith.constant 0 : index
    %get3A_3 = arith.constant 0 : index
    %get3A_4 = vector.load %arg2[%get3A_2, %get3A_3] : memref<128x128xf32, #tpu.memory_space<vmem>>, vector<128x128xf32>
    %dot_general3A = arith.constant dense<0.000000e+00> : vector<1000x128xf32>
    %dot_general3A_5 = tpu.matmul %get3A_1, %get3A_4, %dot_general3A {dimension_numbers = #tpu.dot_dimension_numbers<[1], [0], [0], [1], [0, 0, 1, 1], [], []>, transpose_lhs_hint = false} : vector<1000x128xf32>, vector<128x128xf32>, vector<1000x128xf32> -> vector<1000x128xf32>
    %get3A_6 = arith.constant 0 : index
    %get3A_7 = arith.constant 0 : index
    %get3A_8 = vector.load %arg3[%get3A_6, %get3A_7] : memref<128x32xf32, #tpu.memory_space<vmem>>, vector<128x32xf32>
    %dot_general3A_9 = arith.constant dense<0.000000e+00> : vector<1000x32xf32>
    %dot_general3A_10 = tpu.matmul %dot_general3A_5, %get3A_8, %dot_general3A_9 {dimension_numbers = #tpu.dot_dimension_numbers<[1], [0], [0], [1], [0, 0, 1, 1], [], []>, transpose_lhs_hint = false} : vector<1000x128xf32>, vector<128x32xf32>, vector<1000x32xf32> -> vector<1000x32xf32>
    %swap3A = arith.constant 0 : index
    %swap3A_11 = arith.constant 0 : index
    %swap3A_12 = vector.load %arg4[%swap3A, %swap3A_11] : memref<1000x144xf32, #tpu.memory_space<vmem>>, vector<1000x128xf32>
    tpu.vector_store %arg4[%swap3A, %swap3A_11], %dot_general3A_5 {strides = array<i32>} : memref<1000x144xf32, #tpu.memory_space<vmem>>, vector<1000x128xf32>,
    %slice3A = vector.extract_strided_slice %dot_general3A_10 {offsets = [0, 0], sizes = [1000, 16], strides = [1, 1]} : vector<1000x32xf32> to vector<1000x16xf32>
    %swap3A_13 = arith.constant 0 : index
    %swap3A_14 = arith.constant 128 : index
    %swap3A_15 = vector.load %arg4[%swap3A_13, %swap3A_14] : memref<1000x144xf32, #tpu.memory_space<vmem>>, vector<1000x16xf32>
    tpu.vector_store %arg4[%swap3A_13, %swap3A_14], %slice3A {strides = array<i32>} : memref<1000x144xf32, #tpu.memory_space<vmem>>, vector<1000x16xf32>,
    %slice3A_16 = vector.extract_strided_slice %dot_general3A_10 {offsets = [0, 16], sizes = [1000, 16], strides = [1, 1]} : vector<1000x32xf32> to vector<1000x16xf32>
    %swap3A_17 = arith.constant 0 : index
    %swap3A_18 = arith.constant 0 : index
    %swap3A_19 = vector.load %arg5[%swap3A_17, %swap3A_18] : memref<1000x16xf32, #tpu.memory_space<vmem>>, vector<1000x16xf32>
    tpu.vector_store %arg5[%swap3A_17, %swap3A_18], %slice3A_16 {strides = array<i32>} : memref<1000x16xf32, #tpu.memory_space<vmem>>, vector<1000x16xf32>,
    %slice3A_20 = vector.extract_strided_slice %dot_general3A_10 {offsets = [0, 0], sizes = [1000, 16], strides = [1, 1]} : vector<1000x32xf32> to vector<1000x16xf32>
    %reduce_max3A = arith.constant dense<0xFF800000> : vector<16xf32>
    %reduce_max3A_21 = vector.multi_reduction <maximumf>, %slice3A_20, %reduce_max3A [0] : vector<1000x16xf32> to vector<16xf32>
    %broadcast_in_dim3A = vector.shape_cast %reduce_max3A_21 : vector<16xf32> to vector<1x16xf32>
    %eq3A = arith.constant 0 : i32
    %eq3A_22 = arith.cmpi eq, %arg0, %eq3A : i32
    %convert_element_type3A = arith.extui %eq3A_22 : i1 to i32
    %cond3A = arith.constant 0 : i32
    %cond3A_23 = arith.cmpi ne, %convert_element_type3A, %cond3A : i32
    scf.if %cond3A_23 {
      %swap3A_36 = arith.constant 0 : index
      %swap3A_37 = arith.constant 0 : index
      %swap3A_38 = vector.load %arg7[%swap3A_36, %swap3A_37] : memref<1x16xf32, #tpu.memory_space<vmem>>, vector<1x16xf32>
      tpu.vector_store %arg7[%swap3A_36, %swap3A_37], %broadcast_in_dim3A {strides = array<i32>} : memref<1x16xf32, #tpu.memory_space<vmem>>, vector<1x16xf32>,
    } else {
    }
    %gt3A = arith.constant 0 : i32
    %gt3A_24 = arith.cmpi sgt, %arg0, %gt3A : i32
    %convert_element_type3A_25 = arith.extui %gt3A_24 : i1 to i32
    %cond3A_26 = arith.constant 0 : i32
    %cond3A_27 = arith.cmpi ne, %convert_element_type3A_25, %cond3A_26 : i32
    scf.if %cond3A_27 {
      %get3A_36 = arith.constant 0 : index
      %get3A_37 = arith.constant 0 : index
      %get3A_38 = vector.load %arg7[%get3A_36, %get3A_37] : memref<1x16xf32, #tpu.memory_space<vmem>>, vector<1x16xf32>
      %max3A = arith.maximumf %get3A_38, %broadcast_in_dim3A : vector<1x16xf32>
      %swap3A_39 = arith.constant 0 : index
      %swap3A_40 = arith.constant 0 : index
      %swap3A_41 = vector.load %arg7[%swap3A_39, %swap3A_40] : memref<1x16xf32, #tpu.memory_space<vmem>>, vector<1x16xf32>
      tpu.vector_store %arg7[%swap3A_39, %swap3A_40], %max3A {strides = array<i32>} : memref<1x16xf32, #tpu.memory_space<vmem>>, vector<1x16xf32>,
    } else {
    }
    %broadcast_in_dim3A_28 = arith.constant 0.000000e+00 : f32
    %broadcast_in_dim3A_29 = vector.broadcast %broadcast_in_dim3A_28 : f32 to vector<1x8xf32>
    %get3A_30 = arith.constant 0 : index
    %get3A_31 = arith.constant 0 : index
    %get3A_32 = vector.load %arg7[%get3A_30, %get3A_31] : memref<1x16xf32, #tpu.memory_space<vmem>>, vector<1x8xf32>
    %concatenate3A = tpu.concatenate %broadcast_in_dim3A_29, %get3A_32 in 1 : vector<1x8xf32>, vector<1x8xf32> -> vector<1x16xf32>
    %swap3A_33 = arith.constant 0 : index
    %swap3A_34 = arith.constant 0 : index
    %swap3A_35 = vector.load %arg6[%swap3A_33, %swap3A_34] : memref<1x16xf32, #tpu.memory_space<vmem>>, vector<1x16xf32>
    tpu.vector_store %arg6[%swap3A_33, %swap3A_34], %concatenate3A {strides = array<i32>} : memref<1x16xf32, #tpu.memory_space<vmem>>, vector<1x16xf32>,
    return
  }
  func.func @transform_0(%arg0: i32) -> (i32, i32) {
    %c0_i32 = arith.constant 0 : i32
    %c0_i32_0 = arith.constant 0 : i32
    return %arg0, %c0_i32 : i32, i32
  }
  func.func @transform_1(%arg0: i32) -> (i32, i32) {
    %c0_i32 = arith.constant 0 : i32
    %c0_i32_0 = arith.constant 0 : i32
    %c0_i32_1 = arith.constant 0 : i32
    return %c0_i32, %c0_i32_0 : i32, i32
  }
  func.func @transform_2(%arg0: i32) -> (i32, i32) {
    %c0_i32 = arith.constant 0 : i32
    %c0_i32_0 = arith.constant 0 : i32
    %c0_i32_1 = arith.constant 0 : i32
    return %c0_i32, %c0_i32_0 : i32, i32
  }
  func.func @transform_3(%arg0: i32) -> (i32, i32) {
    %c0_i32 = arith.constant 0 : i32
    %c0_i32_0 = arith.constant 0 : i32
    return %arg0, %c0_i32 : i32, i32
  }
  func.func @transform_4(%arg0: i32) -> (i32, i32) {
    %c0_i32 = arith.constant 0 : i32
    %c0_i32_0 = arith.constant 0 : i32
    return %arg0, %c0_i32 : i32, i32
  }
  func.func @transform_5(%arg0: i32) -> (i32, i32) {
    %c0_i32 = arith.constant 0 : i32
    %c0_i32_0 = arith.constant 0 : i32
    %c0_i32_1 = arith.constant 0 : i32
    return %c0_i32, %c0_i32_0 : i32, i32
  }
}

module attributes {stable_mosaic.version = 14 : i64} {
  func.func @_epi1_body(%arg0: i32, %arg1: memref<2x1000x144xf32, #tpu.memory_space<vmem>>, %arg2: memref<16x128xf32, #tpu.memory_space<vmem>>, %arg3: memref<1x128xf32, #tpu.memory_space<vmem>>, %arg4: memref<128x64xf32, #tpu.memory_space<vmem>>, %arg5: memref<64x32xf32, #tpu.memory_space<vmem>>, %arg6: memref<1000x80xf32, #tpu.memory_space<vmem>>, %arg7: memref<1000x16xf32, #tpu.memory_space<vmem>>, %arg8: memref<1x16xf32, #tpu.memory_space<vmem>>, %arg9: memref<1x16xf32, #tpu.memory_space<vmem>>) attributes {dimension_semantics = [#tpu.dimension_semantics<arbitrary>], iteration_bounds = array<i64: 10>, scalar_prefetch = 0 : i64, scratch_operands = 1 : i64, tpu.core_type = #tpu.core_type<tc>, window_params = [{transform_indices = @transform_0, window_bounds = array<i64: 2, 1000, 144>}, {pipeline_mode = #tpu.pipeline_mode<synchronous>, transform_indices = @transform_1, window_bounds = array<i64: 16, 128>}, {pipeline_mode = #tpu.pipeline_mode<synchronous>, transform_indices = @transform_2, window_bounds = array<i64: 1, 128>}, {pipeline_mode = #tpu.pipeline_mode<synchronous>, transform_indices = @transform_3, window_bounds = array<i64: 128, 64>}, {pipeline_mode = #tpu.pipeline_mode<synchronous>, transform_indices = @transform_4, window_bounds = array<i64: 64, 32>}, {transform_indices = @transform_5, window_bounds = array<i64: 1000, 80>}, {transform_indices = @transform_6, window_bounds = array<i64: 1000, 16>}, {pipeline_mode = #tpu.pipeline_mode<synchronous>, transform_indices = @transform_7, window_bounds = array<i64: 1, 16>}]} {
    %get3A = arith.constant 0 : index
    %get3A_0 = arith.constant 0 : index
    %get3A_1 = arith.constant 0 : index
    %get3A_2 = vector.load %arg1[%get3A, %get3A_0, %get3A_1] : memref<2x1000x144xf32, #tpu.memory_space<vmem>>, vector<1x1000x144xf32>
    %get3A_3 = vector.shape_cast %get3A_2 : vector<1x1000x144xf32> to vector<1000x144xf32>
    %get3A_4 = arith.constant 1 : index
    %get3A_5 = arith.constant 0 : index
    %get3A_6 = arith.constant 0 : index
    %get3A_7 = vector.load %arg1[%get3A_4, %get3A_5, %get3A_6] : memref<2x1000x144xf32, #tpu.memory_space<vmem>>, vector<1x1000x144xf32>
    %get3A_8 = vector.shape_cast %get3A_7 : vector<1x1000x144xf32> to vector<1000x144xf32>
    %add3A = arith.addf %get3A_3, %get3A_8 : vector<1000x144xf32>
    %slice3A = vector.extract_strided_slice %add3A {offsets = [0, 0], sizes = [1000, 128], strides = [1, 1]} : vector<1000x144xf32> to vector<1000x128xf32>
    %slice3A_9 = vector.extract_strided_slice %add3A {offsets = [0, 128], sizes = [1000, 16], strides = [1, 1]} : vector<1000x144xf32> to vector<1000x16xf32>
    %get3A_10 = arith.constant 0 : index
    %get3A_11 = arith.constant 0 : index
    %get3A_12 = vector.load %arg2[%get3A_10, %get3A_11] : memref<16x128xf32, #tpu.memory_space<vmem>>, vector<16x128xf32>
    %dot_general3A = arith.constant dense<0.000000e+00> : vector<1000x128xf32>
    %dot_general3A_13 = tpu.matmul %slice3A_9, %get3A_12, %dot_general3A {dimension_numbers = #tpu.dot_dimension_numbers<[1], [0], [0], [1], [0, 0, 1, 1], [], []>, transpose_lhs_hint = false} : vector<1000x16xf32>, vector<16x128xf32>, vector<1000x128xf32> -> vector<1000x128xf32>
    %add3A_14 = arith.constant 1.000000e-16 : f32
    %add3A_15 = vector.broadcast %add3A_14 : f32 to vector<1000x128xf32>
    %add3A_16 = arith.addf %dot_general3A_13, %add3A_15 : vector<1000x128xf32>
    %div3A = arith.divf %slice3A, %add3A_16 : vector<1000x128xf32>
    %get3A_17 = arith.constant 0 : index
    %get3A_18 = arith.constant 0 : index
    %get3A_19 = vector.load %arg3[%get3A_17, %get3A_18] : memref<1x128xf32, #tpu.memory_space<vmem>>, vector<1x128xf32>
    %add3A_20 = vector.broadcast %get3A_19 : vector<1x128xf32> to vector<1000x128xf32>
    %add3A_21 = arith.addf %div3A, %add3A_20 : vector<1000x128xf32>
    %gt3A = arith.constant 0.000000e+00 : f32
    %gt3A_22 = vector.broadcast %gt3A : f32 to vector<1000x128xf32>
    %gt3A_23 = arith.cmpf ogt, %add3A_21, %gt3A_22 : vector<1000x128xf32>
    %exp3A = math.exp %add3A_21 : vector<1000x128xf32>
    %sub3A = arith.constant 1.000000e+00 : f32
    %sub3A_24 = vector.broadcast %sub3A : f32 to vector<1000x128xf32>
    %sub3A_25 = arith.subf %exp3A, %sub3A_24 : vector<1000x128xf32>
    %select_n3A = arith.select %gt3A_23, %add3A_21, %sub3A_25 : vector<1000x128xi1>, vector<1000x128xf32>
    %get3A_26 = arith.constant 0 : index
    %get3A_27 = arith.constant 0 : index
    %get3A_28 = vector.load %arg4[%get3A_26, %get3A_27] : memref<128x64xf32, #tpu.memory_space<vmem>>, vector<128x64xf32>
    %dot_general3A_29 = arith.constant dense<0.000000e+00> : vector<1000x64xf32>
    %dot_general3A_30 = tpu.matmul %select_n3A, %get3A_28, %dot_general3A_29 {dimension_numbers = #tpu.dot_dimension_numbers<[1], [0], [0], [1], [0, 0, 1, 1], [], []>, transpose_lhs_hint = false} : vector<1000x128xf32>, vector<128x64xf32>, vector<1000x64xf32> -> vector<1000x64xf32>
    %get3A_31 = arith.constant 0 : index
    %get3A_32 = arith.constant 0 : index
    %get3A_33 = vector.load %arg5[%get3A_31, %get3A_32] : memref<64x32xf32, #tpu.memory_space<vmem>>, vector<64x32xf32>
    %dot_general3A_34 = arith.constant dense<0.000000e+00> : vector<1000x32xf32>
    %dot_general3A_35 = tpu.matmul %dot_general3A_30, %get3A_33, %dot_general3A_34 {dimension_numbers = #tpu.dot_dimension_numbers<[1], [0], [0], [1], [0, 0, 1, 1], [], []>, transpose_lhs_hint = false} : vector<1000x64xf32>, vector<64x32xf32>, vector<1000x32xf32> -> vector<1000x32xf32>
    %swap3A = arith.constant 0 : index
    %swap3A_36 = arith.constant 0 : index
    %swap3A_37 = vector.load %arg6[%swap3A, %swap3A_36] : memref<1000x80xf32, #tpu.memory_space<vmem>>, vector<1000x64xf32>
    tpu.vector_store %arg6[%swap3A, %swap3A_36], %dot_general3A_30 {strides = array<i32>} : memref<1000x80xf32, #tpu.memory_space<vmem>>, vector<1000x64xf32>,
    %slice3A_38 = vector.extract_strided_slice %dot_general3A_35 {offsets = [0, 0], sizes = [1000, 16], strides = [1, 1]} : vector<1000x32xf32> to vector<1000x16xf32>
    %swap3A_39 = arith.constant 0 : index
    %swap3A_40 = arith.constant 64 : index
    %swap3A_41 = vector.load %arg6[%swap3A_39, %swap3A_40] : memref<1000x80xf32, #tpu.memory_space<vmem>>, vector<1000x16xf32>
    tpu.vector_store %arg6[%swap3A_39, %swap3A_40], %slice3A_38 {strides = array<i32>} : memref<1000x80xf32, #tpu.memory_space<vmem>>, vector<1000x16xf32>,
    %slice3A_42 = vector.extract_strided_slice %dot_general3A_35 {offsets = [0, 16], sizes = [1000, 16], strides = [1, 1]} : vector<1000x32xf32> to vector<1000x16xf32>
    %swap3A_43 = arith.constant 0 : index
    %swap3A_44 = arith.constant 0 : index
    %swap3A_45 = vector.load %arg7[%swap3A_43, %swap3A_44] : memref<1000x16xf32, #tpu.memory_space<vmem>>, vector<1000x16xf32>
    tpu.vector_store %arg7[%swap3A_43, %swap3A_44], %slice3A_42 {strides = array<i32>} : memref<1000x16xf32, #tpu.memory_space<vmem>>, vector<1000x16xf32>,
    %slice3A_46 = vector.extract_strided_slice %dot_general3A_35 {offsets = [0, 0], sizes = [1000, 16], strides = [1, 1]} : vector<1000x32xf32> to vector<1000x16xf32>
    %reduce_max3A = arith.constant dense<0xFF800000> : vector<16xf32>
    %reduce_max3A_47 = vector.multi_reduction <maximumf>, %slice3A_46, %reduce_max3A [0] : vector<1000x16xf32> to vector<16xf32>
    %broadcast_in_dim3A = vector.shape_cast %reduce_max3A_47 : vector<16xf32> to vector<1x16xf32>
    %eq3A = arith.constant 0 : i32
    %eq3A_48 = arith.cmpi eq, %arg0, %eq3A : i32
    %convert_element_type3A = arith.extui %eq3A_48 : i1 to i32
    %cond3A = arith.constant 0 : i32
    %cond3A_49 = arith.cmpi ne, %convert_element_type3A, %cond3A : i32
    scf.if %cond3A_49 {
      %swap3A_63 = arith.constant 0 : index
      %swap3A_64 = arith.constant 0 : index
      %swap3A_65 = vector.load %arg9[%swap3A_63, %swap3A_64] : memref<1x16xf32, #tpu.memory_space<vmem>>, vector<1x16xf32>
      tpu.vector_store %arg9[%swap3A_63, %swap3A_64], %broadcast_in_dim3A {strides = array<i32>} : memref<1x16xf32, #tpu.memory_space<vmem>>, vector<1x16xf32>,
    } else {
    }
    %gt3A_50 = arith.constant 0 : i32
    %gt3A_51 = arith.cmpi sgt, %arg0, %gt3A_50 : i32
    %convert_element_type3A_52 = arith.extui %gt3A_51 : i1 to i32
    %cond3A_53 = arith.constant 0 : i32
    %cond3A_54 = arith.cmpi ne, %convert_element_type3A_52, %cond3A_53 : i32
    scf.if %cond3A_54 {
      %get3A_63 = arith.constant 0 : index
      %get3A_64 = arith.constant 0 : index
      %get3A_65 = vector.load %arg9[%get3A_63, %get3A_64] : memref<1x16xf32, #tpu.memory_space<vmem>>, vector<1x16xf32>
      %max3A = arith.maximumf %get3A_65, %broadcast_in_dim3A : vector<1x16xf32>
      %swap3A_66 = arith.constant 0 : index
      %swap3A_67 = arith.constant 0 : index
      %swap3A_68 = vector.load %arg9[%swap3A_66, %swap3A_67] : memref<1x16xf32, #tpu.memory_space<vmem>>, vector<1x16xf32>
      tpu.vector_store %arg9[%swap3A_66, %swap3A_67], %max3A {strides = array<i32>} : memref<1x16xf32, #tpu.memory_space<vmem>>, vector<1x16xf32>,
    } else {
    }
    %broadcast_in_dim3A_55 = arith.constant 0.000000e+00 : f32
    %broadcast_in_dim3A_56 = vector.broadcast %broadcast_in_dim3A_55 : f32 to vector<1x8xf32>
    %get3A_57 = arith.constant 0 : index
    %get3A_58 = arith.constant 0 : index
    %get3A_59 = vector.load %arg9[%get3A_57, %get3A_58] : memref<1x16xf32, #tpu.memory_space<vmem>>, vector<1x8xf32>
    %concatenate3A = tpu.concatenate %broadcast_in_dim3A_56, %get3A_59 in 1 : vector<1x8xf32>, vector<1x8xf32> -> vector<1x16xf32>
    %swap3A_60 = arith.constant 0 : index
    %swap3A_61 = arith.constant 0 : index
    %swap3A_62 = vector.load %arg8[%swap3A_60, %swap3A_61] : memref<1x16xf32, #tpu.memory_space<vmem>>, vector<1x16xf32>
    tpu.vector_store %arg8[%swap3A_60, %swap3A_61], %concatenate3A {strides = array<i32>} : memref<1x16xf32, #tpu.memory_space<vmem>>, vector<1x16xf32>,
    return
  }
  func.func @transform_0(%arg0: i32) -> (i32, i32, i32) {
    %c0_i32 = arith.constant 0 : i32
    %c0_i32_0 = arith.constant 0 : i32
    %c0_i32_1 = arith.constant 0 : i32
    return %c0_i32, %arg0, %c0_i32_0 : i32, i32, i32
  }
  func.func @transform_1(%arg0: i32) -> (i32, i32) {
    %c0_i32 = arith.constant 0 : i32
    %c0_i32_0 = arith.constant 0 : i32
    %c0_i32_1 = arith.constant 0 : i32
    return %c0_i32, %c0_i32_0 : i32, i32
  }
  func.func @transform_2(%arg0: i32) -> (i32, i32) {
    %c0_i32 = arith.constant 0 : i32
    %c0_i32_0 = arith.constant 0 : i32
    %c0_i32_1 = arith.constant 0 : i32
    return %c0_i32, %c0_i32_0 : i32, i32
  }
  func.func @transform_3(%arg0: i32) -> (i32, i32) {
    %c0_i32 = arith.constant 0 : i32
    %c0_i32_0 = arith.constant 0 : i32
    %c0_i32_1 = arith.constant 0 : i32
    return %c0_i32, %c0_i32_0 : i32, i32
  }
  func.func @transform_4(%arg0: i32) -> (i32, i32) {
    %c0_i32 = arith.constant 0 : i32
    %c0_i32_0 = arith.constant 0 : i32
    %c0_i32_1 = arith.constant 0 : i32
    return %c0_i32, %c0_i32_0 : i32, i32
  }
  func.func @transform_5(%arg0: i32) -> (i32, i32) {
    %c0_i32 = arith.constant 0 : i32
    %c0_i32_0 = arith.constant 0 : i32
    return %arg0, %c0_i32 : i32, i32
  }
  func.func @transform_6(%arg0: i32) -> (i32, i32) {
    %c0_i32 = arith.constant 0 : i32
    %c0_i32_0 = arith.constant 0 : i32
    return %arg0, %c0_i32 : i32, i32
  }
  func.func @transform_7(%arg0: i32) -> (i32, i32) {
    %c0_i32 = arith.constant 0 : i32
    %c0_i32_0 = arith.constant 0 : i32
    %c0_i32_1 = arith.constant 0 : i32
    return %c0_i32, %c0_i32_0 : i32, i32
  }
}

module attributes {stable_mosaic.version = 14 : i64} {
  func.func @_epi2_body(%arg0: i32, %arg1: memref<2x1000x80xf32, #tpu.memory_space<vmem>>, %arg2: memref<16x64xf32, #tpu.memory_space<vmem>>, %arg3: memref<1x64xf32, #tpu.memory_space<vmem>>, %arg4: memref<1000x64xf32, #tpu.memory_space<vmem>>) attributes {dimension_semantics = [#tpu.dimension_semantics<arbitrary>], iteration_bounds = array<i64: 10>, scalar_prefetch = 0 : i64, scratch_operands = 0 : i64, tpu.core_type = #tpu.core_type<tc>, window_params = [{transform_indices = @transform_0, window_bounds = array<i64: 2, 1000, 80>}, {pipeline_mode = #tpu.pipeline_mode<synchronous>, transform_indices = @transform_1, window_bounds = array<i64: 16, 64>}, {pipeline_mode = #tpu.pipeline_mode<synchronous>, transform_indices = @transform_2, window_bounds = array<i64: 1, 64>}, {transform_indices = @transform_3, window_bounds = array<i64: 1000, 64>}]} {
    %get3A = arith.constant 0 : index
    %get3A_0 = arith.constant 0 : index
    %get3A_1 = arith.constant 0 : index
    %get3A_2 = vector.load %arg1[%get3A, %get3A_0, %get3A_1] : memref<2x1000x80xf32, #tpu.memory_space<vmem>>, vector<1x1000x80xf32>
    %get3A_3 = vector.shape_cast %get3A_2 : vector<1x1000x80xf32> to vector<1000x80xf32>
    %get3A_4 = arith.constant 1 : index
    %get3A_5 = arith.constant 0 : index
    %get3A_6 = arith.constant 0 : index
    %get3A_7 = vector.load %arg1[%get3A_4, %get3A_5, %get3A_6] : memref<2x1000x80xf32, #tpu.memory_space<vmem>>, vector<1x1000x80xf32>
    %get3A_8 = vector.shape_cast %get3A_7 : vector<1x1000x80xf32> to vector<1000x80xf32>
    %add3A = arith.addf %get3A_3, %get3A_8 : vector<1000x80xf32>
    %slice3A = vector.extract_strided_slice %add3A {offsets = [0, 0], sizes = [1000, 64], strides = [1, 1]} : vector<1000x80xf32> to vector<1000x64xf32>
    %slice3A_9 = vector.extract_strided_slice %add3A {offsets = [0, 64], sizes = [1000, 16], strides = [1, 1]} : vector<1000x80xf32> to vector<1000x16xf32>
    %get3A_10 = arith.constant 0 : index
    %get3A_11 = arith.constant 0 : index
    %get3A_12 = vector.load %arg2[%get3A_10, %get3A_11] : memref<16x64xf32, #tpu.memory_space<vmem>>, vector<16x64xf32>
    %dot_general3A = arith.constant dense<0.000000e+00> : vector<1000x64xf32>
    %dot_general3A_13 = tpu.matmul %slice3A_9, %get3A_12, %dot_general3A {dimension_numbers = #tpu.dot_dimension_numbers<[1], [0], [0], [1], [0, 0, 1, 1], [], []>, transpose_lhs_hint = false} : vector<1000x16xf32>, vector<16x64xf32>, vector<1000x64xf32> -> vector<1000x64xf32>
    %add3A_14 = arith.constant 1.000000e-16 : f32
    %add3A_15 = vector.broadcast %add3A_14 : f32 to vector<1000x64xf32>
    %add3A_16 = arith.addf %dot_general3A_13, %add3A_15 : vector<1000x64xf32>
    %div3A = arith.divf %slice3A, %add3A_16 : vector<1000x64xf32>
    %get3A_17 = arith.constant 0 : index
    %get3A_18 = arith.constant 0 : index
    %get3A_19 = vector.load %arg3[%get3A_17, %get3A_18] : memref<1x64xf32, #tpu.memory_space<vmem>>, vector<1x64xf32>
    %add3A_20 = vector.broadcast %get3A_19 : vector<1x64xf32> to vector<1000x64xf32>
    %add3A_21 = arith.addf %div3A, %add3A_20 : vector<1000x64xf32>
    %swap3A = arith.constant 0 : index
    %swap3A_22 = arith.constant 0 : index
    %swap3A_23 = vector.load %arg4[%swap3A, %swap3A_22] : memref<1000x64xf32, #tpu.memory_space<vmem>>, vector<1000x64xf32>
    tpu.vector_store %arg4[%swap3A, %swap3A_22], %add3A_21 {strides = array<i32>} : memref<1000x64xf32, #tpu.memory_space<vmem>>, vector<1000x64xf32>,
    return
  }
  func.func @transform_0(%arg0: i32) -> (i32, i32, i32) {
    %c0_i32 = arith.constant 0 : i32
    %c0_i32_0 = arith.constant 0 : i32
    %c0_i32_1 = arith.constant 0 : i32
    return %c0_i32, %arg0, %c0_i32_0 : i32, i32, i32
  }
  func.func @transform_1(%arg0: i32) -> (i32, i32) {
    %c0_i32 = arith.constant 0 : i32
    %c0_i32_0 = arith.constant 0 : i32
    %c0_i32_1 = arith.constant 0 : i32
    return %c0_i32, %c0_i32_0 : i32, i32
  }
  func.func @transform_2(%arg0: i32) -> (i32, i32) {
    %c0_i32 = arith.constant 0 : i32
    %c0_i32_0 = arith.constant 0 : i32
    %c0_i32_1 = arith.constant 0 : i32
    return %c0_i32, %c0_i32_0 : i32, i32
  }
  func.func @transform_3(%arg0: i32) -> (i32, i32) {
    %c0_i32 = arith.constant 0 : i32
    %c0_i32_0 = arith.constant 0 : i32
    return %arg0, %c0_i32 : i32, i32
  }
}

</mosaic_0001>

<sc_bundles>
// kernel: kernel.10.cloned.1.call-start
scs
__scs_entry_jumppad:
0x0: {  	(pc) =	sbr.rel $0x88, $3  }
0x1: {  	(tag) =	ssettag $0x0;
	lr =	simm.s32 $0x1  }
0x2: {  	[smem:$0x3F97] =	sst lr;
	_ =	strace $0xD0000000  }
0x3: {  	_ = 	snop  }
0x4: {  	_ = 	snop  }
0x5: {  	_ = 	snop  }
0x6: {  	_ = 	snop  }
0x7: {  	_ = 	snop  }
__scs_overlays_trampoline_lowered:
0x8: {  	[smem:$0x3FA6] =	sst s0  }
0x9: {  	[smem:$0x3FA7] =	sst s1  }
0xa: {  	[smem:$0x3FA8] =	sst s2  }
0xb: {  	[smem:$0x3FA9] =	sst s3  }
0xc: {  	[smem:$0x3FAA] =	sst s4  }
0xd: {  	[smem:$0x3FAB] =	sst s5  }
0xe: {  	[smem:$0x3FAC] =	sst s6  }
0xf: {  	[smem:$0x3FAD] =	sst s7  }
0x10: {  	[smem:$0x3FAE] =	sst s8  }
0x11: {  	[smem:$0x3FAF] =	sst s9;
	s0 =	simm.s32 @!p0 $0x0  }
0x12: {  	s1 =	sld [smem:$0x3F95];
	s0 =	simm.s32 @p0 $0x1  }
0x13: {  	[smem:$0x3FB0] =	sst s0;
	s0 =	simm.s32 @!p1 $0x0  }
0x14: {  	s2 =	sld [smem:$0x3F94];
	s0 =	simm.s32 @p1 $0x1  }
0x15: {  	[smem:$0x3FB1] =	sst s0;
	s0 =	simm.s32 @!p2 $0x0  }
0x16: {  	s3 =	sld [smem:$0x3FDB];
	s0 =	simm.s32 @p2 $0x1  }
0x17: {  	s4 =	simm.s32 $0x1BF5;
	[smem:$0x3FB3] =	sst s0  }
0x18: {  	s0 =	sld [smem:$0x3F96];
	_ =	swait.ge [sflag:s4], $0x0  }
0x19: {  	s7 =	sld [smem:$0x3F97]  }
0x1a: {  	s8 =	sadd.s32 $0xFFFFE003, lr  }
0x1b: {  	s9 =	sadd.s32 $0xFFFFFEF7, lr;
	s5 =	simm.s32 $0xFFFFFFFF;
	p2 =	slt.u32 s8, $0xFFFFF086  }
0x1c: {  	p1 =	slt.u32 s9, $0xF7A;
	s5 =	simm.s32 @!p2 $0x0  }
0x1d: {  	s5 =	simm.s32 @p1 $0x1;
	p0 =	seq.s32 s7, s2  }
0x1e: {  	s7 =	smul.u32 @!p0 $0xF7A, s2;
	p2 =	seq.s32 @!p0 s5, $0x0  }
0x1f: {  	s9 =	smul.u32 $0xF7A, s1;
	s8 =	simm.s32 @!p0 $0x1BF5;
	p2 =	por !p2, p0  }
0x20: {  	[sflag:s8] =	ssyncset.s32 @!p0 $0xFFFFF086;
	s6 =	sadd.s32 @!p0 s3, s7;
	s7 =	simm.s32 @!p0 $0x108  }
0x21: {  	s3 =	sadd.s32 s3, s9;
	s6 =	sadd.s32 @!p0 $0x88, s6;
	s7 =	simm.s32 @p2 $0x1082  }
0x22: {  	[simem:s7], [sflag:s8] =	dma.local @!p0 [hbm:s6], $0xF7A  }
0x23: {  	s9 =	sor.u32 $0xD0000000, s2;
	s6 =	simm.s32 $0x108;
	_ =	swait.ge @!p0 [sflag:s8], $0x0  }
0x24: {  	s3 =	sadd.s32 $0x88, s3;
	s6 =	simm.s32 @!p1 $0x1082;
	[sflag:s4] =	ssyncset.s32 $0xFFFFF086  }
0x25: {  	[simem:s6], [sflag:s4] =	dma.local [hbm:s3], $0xF7A  }
0x26: {  	[smem:$0x3F97] =	sst s1;
	(tag) =	ssettag s2;
	_ =	strace s9  }
0x27: {  	s1 =	sld [smem:$0x3FA7]  }
0x28: {  	s2 =	sld [smem:$0x3FA8]  }
0x29: {  	s4 =	sld [smem:$0x3FAA]  }
0x2a: {  	p0 =	seq.s32 s5, $0x0;
	s5 =	sld [smem:$0x3FAB]  }
0x2b: {  	s6 =	sld [smem:$0x3FAC]  }
0x2c: {  	s7 =	sld [smem:$0x3FAD]  }
0x2d: {  	s3 =	simm.s32 $0x108;
	s8 =	sld [smem:$0x3FAE]  }
0x2e: {  	s3 =	simm.s32 @!p0 $0x1082;
	s9 =	sld [smem:$0x3FAF]  }
0x2f: {  	lr =	sadd.s32 s0, s3;
	s0 =	sld [smem:$0x3FA6]  }
0x30: {  	s3 =	sld [smem:$0x3FA9]  }
0x31: {  	[smem:$0x3FB2] =	sst s10  }
0x32: {  	s10 =	sld [smem:$0x3FB0];
	_ =	sdelay $0x3  }
0x33: {  	p0 =	seq.s32 s10, $0x1;
	s10 =	sld [smem:$0x3FB2];
	_ =	sdelay $0x3  }
0x34: {  	[smem:$0x3FB2] =	sst s10  }
0x35: {  	s10 =	sld [smem:$0x3FB1];
	_ =	sdelay $0x3  }
0x36: {  	p1 =	seq.s32 s10, $0x1;
	s10 =	sld [smem:$0x3FB2];
	_ =	sdelay $0x3  }
0x37: {  	[smem:$0x3FB2] =	sst s10  }
0x38: {  	s10 =	sld [smem:$0x3FB3]  }
0x39: {  	_ = 	snop;
	(pc) =	sbr.ind lr, $3  }
0x3a: {  	_ = 	snop  }
0x3b: {  	_ = 	snop  }
0x3c: {  	p2 =	seq.s32 s10, $0x1;
	s10 =	sld [smem:$0x3FB2]  }
0x3d: {  	_ =	shalt  }
0x3e: {  	_ =	shalt  }
0x3f: {  	_ =	shalt  }
0x40: {  	_ =	shalt  }
0x41: {  	_ =	shalt  }
0x42: {  	_ =	shalt  }
0x43: {  	_ =	shalt  }
0x44: {  	_ =	shalt  }
0x45: {  	_ =	shalt  }
0x46: {  	_ =	shalt  }
0x47: {  	_ =	shalt  }
0x48: {  	_ =	shalt  }
0x49: {  	_ =	shalt  }
0x4a: {  	_ =	shalt  }
0x4b: {  	_ =	shalt  }
0x4c: {  	_ =	shalt  }
0x4d: {  	_ =	shalt  }
0x4e: {  	_ =	shalt  }
0x4f: {  	_ =	shalt  }
0x50: {  	_ =	shalt  }
0x51: {  	_ =	shalt  }
0x52: {  	_ =	shalt  }
0x53: {  	_ =	shalt  }
0x54: {  	_ =	shalt  }
0x55: {  	_ =	shalt  }
0x56: {  	_ =	shalt  }
0x57: {  	_ =	shalt  }
0x58: {  	_ =	shalt  }
0x59: {  	_ =	shalt  }
0x5a: {  	_ =	shalt  }
0x5b: {  	_ =	shalt  }
0x5c: {  	_ =	shalt  }
0x5d: {  	_ =	shalt  }
0x5e: {  	_ =	shalt  }
0x5f: {  	_ =	shalt  }
0x60: {  	_ =	shalt  }
0x61: {  	_ =	shalt  }
0x62: {  	_ =	shalt  }
0x63: {  	_ =	shalt  }
0x64: {  	_ =	shalt  }
0x65: {  	_ =	shalt  }
0x66: {  	_ =	shalt  }
0x67: {  	_ =	shalt  }
0x68: {  	_ =	shalt  }
0x69: {  	_ =	shalt  }
0x6a: {  	_ =	shalt  }
0x6b: {  	_ =	shalt  }
0x6c: {  	_ =	shalt  }
0x6d: {  	_ =	shalt  }
0x6e: {  	_ =	shalt  }
0x6f: {  	_ =	shalt  }
0x70: {  	_ =	shalt  }
0x71: {  	_ =	shalt  }
0x72: {  	_ =	shalt  }
0x73: {  	_ =	shalt  }
0x74: {  	_ =	shalt  }
0x75: {  	_ =	shalt  }
0x76: {  	_ =	shalt  }
0x77: {  	_ =	shalt  }
0x78: {  	_ =	shalt  }
0x79: {  	_ =	shalt  }
0x7a: {  	_ =	shalt  }
0x7b: {  	_ =	shalt  }
0x7c: {  	_ =	shalt  }
0x7d: {  	_ =	shalt  }
0x7e: {  	_ =	shalt  }
0x7f: {  	_ =	shalt  }
0x80: {  	_ =	shalt  }
0x81: {  	_ =	shalt  }
0x82: {  	_ =	shalt  }
0x83: {  	_ =	shalt  }
0x84: {  	_ =	shalt  }
0x85: {  	_ =	shalt  }
0x86: {  	_ =	shalt  }
0x87: {  	_ =	shalt  }
.Lfunc_end0:
.L_simem_size_0:
called_computation.1_lowered:
.L_overlay_start_0:
0x88: {  	s2 =	sld [smem:$0x3FD9]  }
0x89: {  	s3 =	sld [smem:$0x3FFE];
	_ =	sdelay $0x1  }
0x8a: {  	s1 =	srdreg.scid  }
0x8b: {  	s0 =	sand.u32 $0x1, s1  }
0x8c: {  	s17 =	sshll.u32 s0, $0xA;
	s2 =	sadd.s32 s3, s2  }
0x8d: {  	s2 =	sadd.s32 s2, s17  }
0x8e: {  	[smem:$0x3FBE] =	sst s2  }
0x8f: {  	_ = 	snop  }
0x90: {  	s2 =	sld [smem:$0x3FD0];
	(tm) =	ssettm $0x1  }
0x91: {  	s18 =	sld [smem:$0x3FFB];
	_ =	sdelay $0x3  }
0x92: {  	_ =	strace s18  }
0x93: {  	s3 =	sld [smem:$0x3FFC];
	_ =	sdelay $0x3  }
0x94: {  	_ =	strace s3  }
0x95: {  	s3 =	sld [smem:$0x3FFD];
	_ =	sdelay $0x3  }
0x96: {  	_ =	strace s3  }
0x97: {  	_ =	strace $0x8FFFFFFF  }
0x98: {  	s19 =	sld [smem:$0x3FDB];
	_ =	sdelay $0x1  }
0x99: {  	s4 =	simm.s32 $_scs_section_size  }
0x9a: {  	s5 =	simm.s32 $_size__tile_overlayer_lowered;
	s6 =	simm.s32 $_tile_overlayer_lowered  }
0x9b: {  	s22 =	simm.s32 $0x1BFF;
	s21 =	sshll.u32 s6, $0x1;
	s3 =	sadd.s32 s4, s19  }
0x9c: {  	s7 =	simm.s32 $0x0;
	s20 =	sshll.u32 s5, $0x1;
	s5 =	sadd.s32 s21, s3  }
0x9d: {  	[timem:s7], [sflag:s22] =	dma.local [hbm:s5], s20  }
0x9e: {  	_ =	swait.ge [sflag:s22], s20  }
0x9f: {  	s4 =	ssub.s32 $0x0, s20;
	[sflag:s22] =	ssyncset.done $0x0  }
0xa0: {  	[sflag:s22] =	ssyncadd.s32 s4;
	_ =	sdelay $0x1  }
0xa1: {  	s23 =	simm.s32 $0x1B8B  }
0xa2: {  	_ =	swait.ge [sflag:s23], $0x1  }
0xa3: {  	[sflag:s23] =	ssyncset.done $0x0  }
0xa4: {  	s25 =	simm.s32 $0x1B8E;
	s24 =	sld [smem:$0x3FFE];
	[sflag:s23] =	ssyncadd.s32 $0xFFFFFFFF  }
0xa5: {  	s26 =	simm.s32 $execute0_lowered;
	[smem:$0x3FD2] =	sst s25  }
0xa6: {  	s5 =	sshll.u32 s26, $0x1;
	_ =	strace $0x80000049;
	[dreg:$0x1] =	wrdreg $0xFFFFFFFF  }
0xa7: {  	s28 =	simm.s32 $_size_execute0_lowered;
	s3 =	sadd.s32 s3, s5;
	[dreg:$0x0] =	wrdreg $0x0  }
0xa8: {  	s5 =	sshll.u32 s28, $0x1;
	[dreg:$0x2] =	wrdreg s3  }
0xa9: {  	[dreg:$0x3] =	wrdreg s5  }
0xaa: {  	[dreg:$0x4] =	wrdreg $0xC0  }
0xab: {  	_ =	task [dreg:s7], $0x5FFFF  }
0xac: {  	[dreg:$0x1] =	wrdreg $0xFFFFFFFF  }
0xad: {  	[dreg:$0x0] =	wrdreg $0x60  }
0xae: {  	[dreg:$0x2] =	wrdreg s24  }
0xaf: {  	[dreg:$0x3] =	wrdreg s2  }
0xb0: {  	[dreg:$0x4] =	wrdreg $0x5BF00  }
0xb1: {  	[dreg:$0x5] =	wrdreg $0x9  }
0xb2: {  	_ =	task.clear_ibuf [dreg:s7], $0x6FFFF;
	_ =	strace $0x90000049  }
0xb3: {  	s29 =	simm.s32 $0x9;
	_ =	strace $0x8000004B  }
0xb4: {  	_ =	swait.ge [sflag:s29], $0x1  }
0xb5: {  	[sflag:s29] =	ssyncadd.s32 $0xFFFFFFFF  }
0xb6: {  	_ =	strace $0x9000004B  }
0xb7: {  	_ =	sfence  }
0xb8: {  	s30 =	sld [smem:$0x0];
	_ =	sdelay $0x2  }
0xb9: {  	s31 =	sshll.u32 s1, $0xD;
	s1 =	sshrl.u32 s1, $0x2  }
0xba: {  	s3 =	sand.u32 $0x4000, s31;
	s1 =	sadd.s32 s1, s30  }
0xbb: {  	s0 =	sor.u32 s3, s0;
	s1 =	sshll.u32 s1, $0x11  }
0xbc: {  	s0 =	sor.u32 s1, s0  }
0xbd: {  	s0 =	sadd.s32 $0x8F2B, s0  }
0xbe: {  	[sflag:s0] =	ssyncadd.remote.s32 $0x1  }
0xbf: {  	_ =	sfence.sel $0xFFFF  }
0xc0: {  	[dreg:$0x0] =	wrdreg $0xFFFFFFFF;
	(pc) =	sbr.abs _section_cstart, $3  }
0xc1: {  	[dreg:$0x1] =	wrdreg $0xFFFFFFFF  }
0xc2: {  	_ =	task.clear_ibuf [dreg:s7], $0x2FFFF;
	_ =	strace $0x9FFFFFFF  }
0xc3: {  	(tm) =	ssettm $0x7FFFFFFF  }
tec
execute0_lowered:
.L_overlay_start_1:
0x0: {  	(tag) =	ssettag $0x1  }
0x1: {  	s12 =	rddreg [dreg:$0x0]  }
0x2: {  	s2 =	rddreg [dreg:$0x1]  }
0x3: {  	s3 =	rddreg [dreg:$0x2];
	s4 =	simm.s32 $0x0;
	s0 =	srdreg.scid  }
0x4: {  	s18 =	stileid.u32;
	s19 =	simm.s32 $0x5;
	s22 =	simm.s32 $0xF0  }
0x5: {  	s23 =	simm.s32 $0x78;
	s24 =	simm.s32 $0x1E0;
	s28 =	simm.s32 $0x2760  }
0x6: {  	s29 =	simm.s32 $0x5460;
	s30 =	simm.s32 $0x1;
	s31 =	simm.s32 $0x3  }
0x7: {  	s21 =	simm.s32 $0x0;
	[smem:$0x7FF] =	sst s4;
	s6 =	sadd.s32 $0x200, s12  }
0x8: {  	s7 =	sadd.s32 $0x18A00, s12;
	s8 =	sadd.s32 $0x31400, s12;
	s0 =	sand.u32 $0x1, s0  }
0x9: {  	s1 =	sshll.u32 s18, $0x1;
	s11 =	smul.u32 $0xC300, s18;
	s9 =	sadd.s32 $0x1DA00, s12  }
0xa: {  	s12 =	sadd.s32 $0x3B600, s12;
	s25 =	sshll.u32 s18, $0x6;
	s20 =	sadd.s32 $0xC3000, s3  }
0xb: {  	p0 =	sne.s32 s18, $0xF;
	_ =	strace $0x8000004A;
	s5 =	ssub.s32 $0x2, s0  }
0xc: {  	s1 =	sor.u32 s0, s1;
	s0 =	smul.u32 $0xC3500, s0;
	s20 =	sshrl.u32 @!p0 s20, $0x3  }
0xd: {  	s10 =	sshrl.u32 s5, $0x1;
	s1 =	smul.u32 $0x2850, s1;
	s15 =	sadd.s32 s11, s3  }
0xe: {  	s5 =	ssub.s32 s5, s10;
	s10 =	sor.u32 $0x1C05, s25;
	s11 =	sadd.s32 s11, s0  }
0xf: {  	s0 =	sshrl.u32 s0, $0x3;
	s18 =	sshrl.u32 s15, $0x3;
	s13 =	sshrl.u32 s1, $0x3  }
0x10: {  	s11 =	sshrl.u32 s11, $0x3;
	s0 =	sadd.s32 s12, s0;
	s17 =	smax.u32 s5, $0x1  }
0x11: {  	s5 =	simm.s32 $0x4;
	s14 =	sadd.s32 s2, s13;
	s13 =	sadd.s32 s8, s13  }
0x12: {  	s26 =	sadd.s32 s12, s11;
	s16 =	sadd.s32 $0x18600, s0;
	[dreg:$0x4] =	wrdreg s14  }
0x13: {  	v0 =	vlaneseq.u32;
	s0 =	simm.s32 $0x2;
	[dreg:$0x5] =	wrdreg s13;
	s13 =	sadd.s32 $0x78, s1  }
0x14: {  	v1 =	vimm.s32 $0x0;
	v0 =	vor.u32 $0x8, v0;
	s14 =	sadd.s32 $0xF0, s1;
	[dreg:$0x6] =	wrdreg s26;
	s26 =	simm.s32 $0x168  }
.LBB2_1:
0x15: {  	[spmem:s18], [sflag:s10] =	dma.local [hbm:s9], $0x1860  }
0x16: {  	_ =	swait.ge [sflag:s19], $0x1860  }
0x17: {  	[sflag:s19] =	ssyncset.done $0x0  }
0x18: {  	s1 =	simm.s32 @!p0 $0x5;
	[sflag:s19] =	ssyncadd.s32 $0xFFFFE7A0  }
0x19: {  	[spmem:s20], [sflag:s10] =	dma.local @!p0 [hbm:s9], $0xA0  }
0x1a: {  	_ =	swait.ge @!p0 [sflag:s1], $0xA0  }
0x1b: {  	[sflag:s1] =	ssyncset.done @!p0 $0x0  }
0x1c: {  	[sflag:s1] =	ssyncadd.s32 @!p0 $0xFFFFFF60  }
0x1d: {  	s11 =	simm.s32 $0x5BE0;
	s1 =	rddreg [dreg:$0x0]  }
0x1e: {  	[tilespmem:s11], [sflag:$0x5] =	stream.linear.gather [hbm4b:s1+s4], $0x10, $0x38;
	[tilespmem:$0x11F40] =	vst v63  }
0x1f: {  	_ =	swait.ge [sflag:s19], $0x10  }
0x20: {  	[sflag:s19] =	ssyncset.done $0x0  }
0x21: {  	[sflag:s19] =	ssyncadd.s32 $0xFFFFFFF0  }
0x22: {  	[bflag:$0x0] =	sbarrier.arrive $0xFFFF  }
0x23: {  	s12 =	rddreg [dreg:$0x4]  }
0x24: {  	v2 =	vld [tilespmem:$0x5BE0];
	[tilespmem:s4], [sflag:$0x5] =	stream.linear.gather [hbm4b:s12+s4], $0x78, $0x38  }
0x25: {  	_ =	swait.ge [sflag:s19], $0x78  }
0x26: {  	[sflag:s19] =	ssyncset.done $0x0  }
0x27: {  	s15 =	rddreg [dreg:$0x5];
	[sflag:s19] =	ssyncadd.s32 $0xFFFFFF88  }
0x28: {  	[tilespmem:s22], [sflag:$0x5] =	stream.linear.gather [hbm4b:s15+s4], $0x78, $0x38;
	[tilespmem:$0x11F40] =	vst v63  }
0x29: {  	_ =	swait.ge [sflag:s19], $0x78  }
0x2a: {  	[sflag:s19] =	ssyncset.done $0x0  }
0x2b: {  	[sflag:s19] =	ssyncadd.s32 $0xFFFFFF88  }
0x2c: {  	[tilespmem:s24], [sflag:$0x1] =	stream.indirect.gather [hbm4b:s6+s23], $0x50, s4, s23, $0xb8;
	[tilespmem:$0x11F40] =	vst v63  }
0x2d: {  	s25 =	simm.s32 $0x4CE0  }
0x2e: {  	[tilespmem:s25], [sflag:$0x3] =	stream.indirect.gather [hbm4b:s7+s23], $0x10, s22, s23, $0xb8;
	[tilespmem:$0x11F40] =	vst v63  }
0x2f: {  	s25 =	simm.s32 $0x0  }
.LBB2_2:
0x30: {  	s1 =	smul.u32 $0xF0, s25;
	_ =	sdelay $0x1  }
0x31: {  	s11 =	sadd.s32 s1, s13  }
0x32: {  	s11 =	sshrl.u32 s11, $0x3  }
0x33: {  	s15 =	simm.s32 $0x0;
	s12 =	sadd.s32 s2, s11  }
0x34: {  	[tilespmem:s23], [sflag:$0x5] =	stream.linear.gather [hbm4b:s12+s15], $0x78, $0x38;
	[tilespmem:$0x11F40] =	vst v63  }
0x35: {  	_ =	swait.ge [sflag:s19], $0x78  }
0x36: {  	[sflag:s19] =	ssyncset.done $0x0  }
0x37: {  	s11 =	sadd.s32 s8, s11;
	[sflag:s19] =	ssyncadd.s32 $0xFFFFFF88  }
0x38: {  	[tilespmem:s26], [sflag:$0x5] =	stream.linear.gather [hbm4b:s11+s15], $0x78, $0x38;
	[tilespmem:$0x11F40] =	vst v63  }
0x39: {  	_ =	swait.ge [sflag:s19], $0x78  }
0x3a: {  	[sflag:s19] =	ssyncset.done $0x0  }
0x3b: {  	[sflag:s19] =	ssyncadd.s32 $0xFFFFFF88  }
0x3c: {  	[tilespmem:s28], [sflag:$0x2] =	stream.indirect.gather [hbm4b:s6+s23], $0x50, s23, s23, $0xb8;
	[tilespmem:$0x11F40] =	vst v63  }
0x3d: {  	_ = 	snop  }
0x3e: {  	[tilespmem:s29], [sflag:$0x4] =	stream.indirect.gather [hbm4b:s7+s23], $0x10, s26, s23, $0xb8;
	[tilespmem:$0x11F40] =	vst v63  }
0x3f: {  	_ =	swait.ge [sflag:s30], $0x2580  }
0x40: {  	[sflag:s30] =	ssyncset.done $0x0  }
0x41: {  	[sflag:s30] =	ssyncadd.s32 $0xFFFFDA80  }
0x42: {  	_ =	swait.ge [sflag:s31], $0x780  }
0x43: {  	[sflag:s31] =	ssyncset.done $0x0  }
0x44: {  	s15 =	simm.s32 $0x0;
	[sflag:s31] =	ssyncadd.s32 $0xFFFFF880  }
0x45: {  	v3 =	vld [tilespmem:s15+$0x4CE0]  }
0x46: {  	s11 =	simm.s32 $0x200  }
0x47: {  	v4 =	vld [tilespmem:s11+$0x20];
	_ =	sdelay $0x2  }
0x48: {  	v3 =	vadd.f32 v3, v2;
	_ =	sdelay $0x1  }
0x49: {  	v3 =	vadd.f32 v3, v4;
	_ =	sdelay $0x1  }
0x4a: {  	v4 =	vmul.f32 $2.000000030e-01, v3  }
0x4b: {  	vm0 =	vgt.f32 v3, $0.0e+00  }
0x4c: {  	v3 =	vsel vm0, v3, v4  }
0x4d: {  	v4 =	vperm.xlane v3, v0;
	_ =	sdelay $0x1  }
0x4e: {  	v3 =	vsub.f32 v3, v4;
	_ =	sdelay $0x1  }
0x4f: {  	v3 =	vmul.f32 $1.442695020e+00, v3;
	_ =	sdelay $0x1  }
0x50: {  	(erf) = vpow2.f32 v3;
	_ =	sdelay $0x6  }
0x51: {  	v3 =	vld [tilespmem:s11+$0x10]  }
0x52: {  	v63 =	vld [tilespmem:s11+$0x0]  }
0x53: {  	v5 =	vld [tilespmem:s11+$0xFFFFFFF0];
	v6 =	vpop (erf)  }
0x54: {  	v7 =	vld [tilespmem:s11+$0xFFFFFFE0];
	v8 =	vperm.xlane v6, v1;
	_ =	sdelay $0x1  }
0x55: {  	v3 =	vmul.f32 v3, v8  }
0x56: {  	[tilespmem:s11+$0x20] =	vst v6;
	v4 =	vmul.f32 v63, v8  }
0x57: {  	v5 =	vmul.f32 v5, v8;
	[tilespmem:s11+$0x10] =	vst v3  }
0x58: {  	v3 =	vmul.f32 v7, v8;
	[tilespmem:s11+$0x0] =	vst v4  }
0x59: {  	[tilespmem:s11+$0xFFFFFFF0] =	vst v5  }
0x5a: {  	s12 =	simm.s32 $0x80;
	s15 =	simm.s32 $0x10;
	[tilespmem:s11+$0xFFFFFFE0] =	vst v3  }
.LBB2_3:
0x5b: {  	p1 =	sne.s32 s12, $0x1DC0;
	v3 =	vld [tilespmem:s15+$0x4CE0]  }
0x5c: {  	s11 =	sadd.s32 $0x50, s11  }
0x5d: {  	v4 =	vld [tilespmem:s11+$0x20];
	_ =	sdelay $0x2  }
0x5e: {  	v3 =	vadd.f32 v3, v2;
	_ =	sdelay $0x1  }
0x5f: {  	v3 =	vadd.f32 v3, v4;
	_ =	sdelay $0x1  }
0x60: {  	v4 =	vmul.f32 $2.000000030e-01, v3  }
0x61: {  	vm0 =	vgt.f32 v3, $0.0e+00  }
0x62: {  	v3 =	vsel vm0, v3, v4  }
0x63: {  	v4 =	vperm.xlane v3, v0;
	_ =	sdelay $0x1  }
0x64: {  	v3 =	vsub.f32 v3, v4;
	_ =	sdelay $0x1  }
0x65: {  	v3 =	vmul.f32 $1.442695020e+00, v3;
	_ =	sdelay $0x1  }
0x66: {  	(erf) = vpow2.f32 v3;
	_ =	sdelay $0x4  }
0x67: {  	v3 =	vld [tilespmem:s11+$0xFFFFFFF0]  }
0x68: {  	v4 =	vld [tilespmem:s11+$0x10]  }
0x69: {  	v5 =	vld [tilespmem:s11+$0x0]  }
0x6a: {  	v6 =	vld [tilespmem:s11+$0xFFFFFFE0]  }
0x6b: {  	v7 =	vpop (erf)  }
0x6c: {  	[tilespmem:s11+$0x20] =	vst v7;
	v7 =	vperm.xlane v7, v1;
	_ =	sdelay $0x1  }
0x6d: {  	v5 =	vmul.f32 v5, v7;
	v4 =	vmul.f32 v4, v7  }
.Ltmp0:
0x6e: {  	v3 =	vmul.f32 v3, v7;
	v6 =	vmul.f32 v6, v7;
	(pc) =	sbr.rel @p1 .LBB2_3-.Ltmp0, $4  }
0x6f: {  	[tilespmem:s11+$0x10] =	vst v4  }
0x70: {  	[tilespmem:s11+$0x0] =	vst v5  }
0x71: {  	[tilespmem:s11+$0xFFFFFFF0] =	vst v3  }
0x72: {  	s15 =	sshra.s32 s12, $0x2;
	s12 =	sadd.s32 $0x40, s12;
	[tilespmem:s11+$0xFFFFFFE0] =	vst v6  }
0x73: {  	v3 =	vld [tilespmem:s15+$0x4CE0]  }
0x74: {  	s11 =	sadd.s32 $0x50, s11  }
0x75: {  	v4 =	vld [tilespmem:s11+$0x20];
	_ =	sdelay $0x2  }
0x76: {  	v3 =	vadd.f32 v3, v2;
	_ =	sdelay $0x1  }
0x77: {  	v3 =	vadd.f32 v3, v4;
	_ =	sdelay $0x1  }
0x78: {  	v4 =	vmul.f32 $2.000000030e-01, v3  }
0x79: {  	vm0 =	vgt.f32 v3, $0.0e+00  }
0x7a: {  	v3 =	vsel vm0, v3, v4  }
0x7b: {  	v4 =	vperm.xlane v3, v0;
	_ =	sdelay $0x1  }
0x7c: {  	v3 =	vsub.f32 v3, v4;
	_ =	sdelay $0x1  }
0x7d: {  	v3 =	vmul.f32 $1.442695020e+00, v3;
	_ =	sdelay $0x1  }
0x7e: {  	(erf) = vpow2.f32 v3;
	_ =	sdelay $0x6  }
0x7f: {  	v3 =	vld [tilespmem:s11+$0x10]  }
0x80: {  	v57 =	vld [tilespmem:s11+$0x0]  }
0x81: {  	v5 =	vld [tilespmem:s11+$0xFFFFFFF0];
	v6 =	vpop (erf)  }
0x82: {  	v7 =	vld [tilespmem:s11+$0xFFFFFFE0];
	v8 =	vperm.xlane v6, v1;
	_ =	sdelay $0x1  }
0x83: {  	v3 =	vmul.f32 v3, v8  }
0x84: {  	[tilespmem:s11+$0x20] =	vst v6;
	v4 =	vmul.f32 v57, v8  }
0x85: {  	v5 =	vmul.f32 v5, v8;
	[tilespmem:s11+$0x10] =	vst v3  }
0x86: {  	v3 =	vmul.f32 v7, v8;
	[tilespmem:s11+$0x0] =	vst v4  }
0x87: {  	[tilespmem:s11+$0xFFFFFFF0] =	vst v5  }
0x88: {  	p1 =	seq.s32 s25, $0x2A;
	[tilespmem:s11+$0xFFFFFFE0] =	vst v3  }
0x89: {  	[spmem:s3] =	stream.indirect.scatter.add.f32 [tilespmem:s24], [sflag:$0x5], $0x50, s22, s23, $0xb8;
	[tilespmem:$0x11F40] =	vst v63  }
0x8a: {  	s1 =	sadd.s32 @!p1 s1, s14;
	_ =	swait.ge [sflag:s19], $0x2580  }
0x8b: {  	s1 =	sshrl.u32 @!p1 s1, $0x3;
	[sflag:s19] =	ssyncset.done $0x0  }
0x8c: {  	s12 =	simm.s32 @!p1 $0x0;
	s11 =	sadd.s32 @!p1 s2, s1;
	[sflag:s19] =	ssyncadd.s32 $0xFFFFDA80  }
0x8d: {  	[tilespmem:s12], [sflag:$0x5] =	stream.linear.gather @!p1 [hbm4b:s11+s12], $0x78, $0x38;
	[tilespmem:$0x11F40] =	vst v63  }
0x8e: {  	s11 =	simm.s32 @!p1 $0x5  }
0x8f: {  	_ =	swait.ge @!p1 [sflag:s11], $0x78  }
0x90: {  	[sflag:s11] =	ssyncset.done @!p1 $0x0  }
0x91: {  	s15 =	simm.s32 @!p1 $0xF0;
	s1 =	sadd.s32 @!p1 s8, s1;
	[sflag:s11] =	ssyncadd.s32 @!p1 $0xFFFFFF88  }
0x92: {  	[tilespmem:s15], [sflag:$0x5] =	stream.linear.gather @!p1 [hbm4b:s1+s12], $0x78, $0x38;
	[tilespmem:$0x11F40] =	vst v63  }
0x93: {  	_ =	swait.ge @!p1 [sflag:s11], $0x78  }
0x94: {  	[sflag:s11] =	ssyncset.done @!p1 $0x0  }
0x95: {  	s1 =	simm.s32 @!p1 $0x78;
	[sflag:s11] =	ssyncadd.s32 @!p1 $0xFFFFFF88;
	s11 =	simm.s32 @!p1 $0x1E0  }
0x96: {  	[tilespmem:s11], [sflag:$0x1] =	stream.indirect.gather @!p1 [hbm4b:s6+s1], $0x50, s12, s1, $0xb8;
	[tilespmem:$0x11F40] =	vst v63  }
0x97: {  	s11 =	simm.s32 @!p1 $0x4CE0  }
0x98: {  	[tilespmem:s11], [sflag:$0x3] =	stream.indirect.gather @!p1 [hbm4b:s7+s1], $0x10, s15, s1, $0xb8;
	[tilespmem:$0x11F40] =	vst v63  }
0x99: {  	_ =	swait.ge [sflag:s0], $0x2580  }
0x9a: {  	[sflag:s0] =	ssyncset.done $0x0  }
0x9b: {  	[sflag:s0] =	ssyncadd.s32 $0xFFFFDA80  }
0x9c: {  	_ =	swait.ge [sflag:s5], $0x780  }
0x9d: {  	[sflag:s5] =	ssyncset.done $0x0  }
0x9e: {  	s15 =	simm.s32 $0x0;
	[sflag:s5] =	ssyncadd.s32 $0xFFFFF880  }
0x9f: {  	v3 =	vld [tilespmem:s15+$0x5460]  }
0xa0: {  	s1 =	simm.s32 $0x2780  }
0xa1: {  	v58 =	vld [tilespmem:s1+$0x20];
	_ =	sdelay $0x2  }
0xa2: {  	v3 =	vadd.f32 v3, v2;
	_ =	sdelay $0x1  }
0xa3: {  	v3 =	vadd.f32 v3, v58;
	_ =	sdelay $0x1  }
0xa4: {  	v4 =	vmul.f32 $2.000000030e-01, v3  }
0xa5: {  	vm15 =	vgt.f32 v3, $0.0e+00  }
0xa6: {  	v3 =	vsel vm15, v3, v4  }
0xa7: {  	v4 =	vperm.xlane v3, v0;
	_ =	sdelay $0x1  }
0xa8: {  	v3 =	vsub.f32 v3, v4;
	_ =	sdelay $0x1  }
0xa9: {  	v3 =	vmul.f32 $1.442695020e+00, v3;
	_ =	sdelay $0x1  }
0xaa: {  	(erf) = vpow2.f32 v3;
	_ =	sdelay $0x6  }
0xab: {  	v3 =	vld [tilespmem:s1+$0x10]  }
0xac: {  	v59 =	vld [tilespmem:s1+$0x0]  }
0xad: {  	v60 =	vld [tilespmem:s1+$0xFFFFFFF0];
	v61 =	vpop (erf)  }
0xae: {  	v62 =	vld [tilespmem:s1+$0xFFFFFFE0];
	v63 =	vperm.xlane v61, v1;
	_ =	sdelay $0x1  }
0xaf: {  	v3 =	vmul.f32 v3, v63  }
0xb0: {  	[tilespmem:s1+$0x20] =	vst v61;
	v4 =	vmul.f32 v59, v63  }
0xb1: {  	v5 =	vmul.f32 v60, v63;
	[tilespmem:s1+$0x10] =	vst v3  }
0xb2: {  	v3 =	vmul.f32 v62, v63;
	[tilespmem:s1+$0x0] =	vst v4  }
0xb3: {  	[tilespmem:s1+$0xFFFFFFF0] =	vst v5  }
0xb4: {  	s12 =	simm.s32 $0x10;
	s11 =	simm.s32 $0x80;
	[tilespmem:s1+$0xFFFFFFE0] =	vst v3  }
.LBB2_5:
0xb5: {  	p1 =	sne.s32 s11, $0x1DC0;
	v3 =	vld [tilespmem:s12+$0x5460]  }
0xb6: {  	s1 =	sadd.s32 $0x50, s1  }
0xb7: {  	v4 =	vld [tilespmem:s1+$0x20];
	_ =	sdelay $0x2  }
0xb8: {  	v3 =	vadd.f32 v3, v2;
	_ =	sdelay $0x1  }
0xb9: {  	v3 =	vadd.f32 v3, v4;
	_ =	sdelay $0x1  }
0xba: {  	v4 =	vmul.f32 $2.000000030e-01, v3  }
0xbb: {  	vm0 =	vgt.f32 v3, $0.0e+00  }
0xbc: {  	v3 =	vsel vm0, v3, v4  }
0xbd: {  	v4 =	vperm.xlane v3, v0;
	_ =	sdelay $0x1  }
0xbe: {  	v3 =	vsub.f32 v3, v4;
	_ =	sdelay $0x1  }
0xbf: {  	v3 =	vmul.f32 $1.442695020e+00, v3;
	_ =	sdelay $0x1  }
0xc0: {  	(erf) = vpow2.f32 v3;
	_ =	sdelay $0x4  }
0xc1: {  	v3 =	vld [tilespmem:s1+$0xFFFFFFF0]  }
0xc2: {  	v4 =	vld [tilespmem:s1+$0x10]  }
0xc3: {  	v5 =	vld [tilespmem:s1+$0x0]  }
0xc4: {  	v6 =	vld [tilespmem:s1+$0xFFFFFFE0]  }
0xc5: {  	v7 =	vpop (erf)  }
0xc6: {  	[tilespmem:s1+$0x20] =	vst v7;
	v7 =	vperm.xlane v7, v1;
	_ =	sdelay $0x1  }
0xc7: {  	v5 =	vmul.f32 v5, v7;
	v4 =	vmul.f32 v4, v7  }
.Ltmp1:
0xc8: {  	v3 =	vmul.f32 v3, v7;
	v6 =	vmul.f32 v6, v7;
	(pc) =	sbr.rel @p1 .LBB2_5-.Ltmp1, $4  }
0xc9: {  	[tilespmem:s1+$0x10] =	vst v4  }
0xca: {  	[tilespmem:s1+$0x0] =	vst v5  }
0xcb: {  	[tilespmem:s1+$0xFFFFFFF0] =	vst v3  }
0xcc: {  	s12 =	sshra.s32 s11, $0x2;
	s11 =	sadd.s32 $0x40, s11;
	[tilespmem:s1+$0xFFFFFFE0] =	vst v6  }
0xcd: {  	v3 =	vld [tilespmem:s12+$0x5460]  }
0xce: {  	s1 =	sadd.s32 $0x50, s1  }
0xcf: {  	v4 =	vld [tilespmem:s1+$0x20];
	_ =	sdelay $0x2  }
0xd0: {  	v3 =	vadd.f32 v3, v2;
	_ =	sdelay $0x1  }
0xd1: {  	v3 =	vadd.f32 v3, v4;
	_ =	sdelay $0x1  }
0xd2: {  	v4 =	vmul.f32 $2.000000030e-01, v3  }
0xd3: {  	vm0 =	vgt.f32 v3, $0.0e+00  }
0xd4: {  	v3 =	vsel vm0, v3, v4  }
0xd5: {  	v4 =	vperm.xlane v3, v0;
	_ =	sdelay $0x1  }
0xd6: {  	v3 =	vsub.f32 v3, v4;
	_ =	sdelay $0x1  }
0xd7: {  	v3 =	vmul.f32 $1.442695020e+00, v3;
	_ =	sdelay $0x1  }
0xd8: {  	(erf) = vpow2.f32 v3;
	_ =	sdelay $0x6  }
0xd9: {  	v3 =	vld [tilespmem:s1+$0x10]  }
0xda: {  	v63 =	vld [tilespmem:s1+$0x0]  }
0xdb: {  	v5 =	vld [tilespmem:s1+$0xFFFFFFF0];
	v6 =	vpop (erf)  }
0xdc: {  	v7 =	vld [tilespmem:s1+$0xFFFFFFE0];
	v8 =	vperm.xlane v6, v1;
	_ =	sdelay $0x1  }
0xdd: {  	v3 =	vmul.f32 v3, v8  }
0xde: {  	[tilespmem:s1+$0x20] =	vst v6;
	v4 =	vmul.f32 v63, v8  }
0xdf: {  	v5 =	vmul.f32 v5, v8;
	[tilespmem:s1+$0x10] =	vst v3  }
0xe0: {  	s25 =	sadd.s32 $0x1, s25;
	v3 =	vmul.f32 v7, v8;
	[tilespmem:s1+$0x0] =	vst v4  }
0xe1: {  	p1 =	sne.s32 s25, $0x2B;
	[tilespmem:s1+$0xFFFFFFF0] =	vst v5  }
.Ltmp2:
0xe2: {  	[tilespmem:s1+$0xFFFFFFE0] =	vst v3;
	(pc) =	sbr.rel @p1 .LBB2_2-.Ltmp2, $4  }
0xe3: {  	[spmem:s3] =	stream.indirect.scatter.add.f32 [tilespmem:s28], [sflag:$0x5], $0x50, s26, s23, $0xb8;
	[tilespmem:$0x11F40] =	vst v63  }
0xe4: {  	_ =	swait.ge [sflag:s19], $0x2580  }
0xe5: {  	[sflag:s19] =	ssyncset.done $0x0  }
0xe6: {  	[sflag:s19] =	ssyncadd.s32 $0xFFFFDA80  }
0xe7: {  	[bflag:$0x0] =	sbarrier.arrive $0xFFFF  }
0xe8: {  	s1 =	rddreg [dreg:$0x6]  }
0xe9: {  	[hbm:s1], [sflag:s10] =	dma.local [spmem:s18], $0x1860  }
0xea: {  	s21 =	sadd.s32 $0x1, s21;
	_ =	swait.ge [sflag:s19], $0x1860  }
0xeb: {  	p1 =	sne.s32 s21, s17;
	[sflag:s19] =	ssyncset.done $0x0  }
.Ltmp3:
0xec: {  	s1 =	simm.s32 @!p0 $0x5;
	[sflag:s19] =	ssyncadd.s32 $0xFFFFE7A0;
	(pc) =	sbr.rel @p1 .LBB2_1-.Ltmp3, $4  }
0xed: {  	[hbm:s16], [sflag:s10] =	dma.local @!p0 [spmem:s20], $0xA0  }
0xee: {  	_ =	swait.ge @!p0 [sflag:s1], $0xA0  }
0xef: {  	[sflag:s1] =	ssyncset.done @!p0 $0x0  }
0xf0: {  	[sflag:s1] =	ssyncadd.s32 @!p0 $0xFFFFFF60  }
0xf1: {  	_ =	sfence.sel $0x180000  }
0xf2: {  	[bflag:$0x0] =	sbarrier.arrive $0xFFFF  }
0xf3: {  	_ =	strace $0x9000004A  }
0xf4: {  	s0 =	stileid.u32;
	[bflag:$0x2] =	sbarrier.arrive $0xFFFF  }
0xf5: {  	p0 =	sne.s32 s0, $0x0;
	s0 =	rddreg [dreg:$0x3]  }
0xf6: {  	s0 =	sadd.s32 @!p0 $0x100000, s0  }
0xf7: {  	[sflag:s0] =	ssyncadd.tile.s32 @!p0 $0x1;
	_ =	shalt  }
.Lfunc_end2:
_tile_overlayer_lowered:
.L_overlay_start_2:
0xf8: {  	(tag) =	ssettag $0x2  }
0xf9: {  	s0 =	rddreg [dreg:$0x0];
	s2 =	stileid.u32  }
0xfa: {  	s1 =	rddreg [dreg:$0x1];
	p0 =	sne.s32 s2, $0x0  }
0xfb: {  	s3 =	rddreg [dreg:$0x2];
	[bflag:$0x3] =	sbarrier.arrive $0xFFFF;
	s2 =	simm.s32 @!p0 $0x1C05  }
0xfc: {  	[timem:s3], [sflag:s2] =	dma.local @!p0 [hbm:s0], s1  }
0xfd: {  	s0 =	simm.s32 @!p0 $0x5  }
0xfe: {  	_ =	swait.ge @!p0 [sflag:s0], s1  }
0xff: {  	s1 =	ssub.s32 @!p0 $0x0, s1;
	[sflag:s0] =	ssyncset.done @!p0 $0x0  }
0x100: {  	[sflag:s0] =	ssyncadd.s32 @!p0 s1  }
0x101: {  	[bflag:$0x3] =	sbarrier.arrive $0xFFFF  }
0x102: {  	_ =	shalt  }

// kernel: kernel.7.cloned.1.call-start
scs
__scs_entry_jumppad:
0x0: {  	(pc) =	sbr.rel $0x88, $3  }
0x1: {  	(tag) =	ssettag $0x0;
	lr =	simm.s32 $0x1  }
0x2: {  	[smem:$0x3F97] =	sst lr;
	_ =	strace $0xD0000000  }
0x3: {  	_ = 	snop  }
0x4: {  	_ = 	snop  }
0x5: {  	_ = 	snop  }
0x6: {  	_ = 	snop  }
0x7: {  	_ = 	snop  }
__scs_overlays_trampoline_lowered:
0x8: {  	[smem:$0x3FA6] =	sst s0  }
0x9: {  	[smem:$0x3FA7] =	sst s1  }
0xa: {  	[smem:$0x3FA8] =	sst s2  }
0xb: {  	[smem:$0x3FA9] =	sst s3  }
0xc: {  	[smem:$0x3FAA] =	sst s4  }
0xd: {  	[smem:$0x3FAB] =	sst s5  }
0xe: {  	[smem:$0x3FAC] =	sst s6  }
0xf: {  	[smem:$0x3FAD] =	sst s7  }
0x10: {  	[smem:$0x3FAE] =	sst s8  }
0x11: {  	[smem:$0x3FAF] =	sst s9;
	s0 =	simm.s32 @!p0 $0x0  }
0x12: {  	s1 =	sld [smem:$0x3F95];
	s0 =	simm.s32 @p0 $0x1  }
0x13: {  	[smem:$0x3FB0] =	sst s0;
	s0 =	simm.s32 @!p1 $0x0  }
0x14: {  	s2 =	sld [smem:$0x3F94];
	s0 =	simm.s32 @p1 $0x1  }
0x15: {  	[smem:$0x3FB1] =	sst s0;
	s0 =	simm.s32 @!p2 $0x0  }
0x16: {  	s3 =	sld [smem:$0x3FDB];
	s0 =	simm.s32 @p2 $0x1  }
0x17: {  	s4 =	simm.s32 $0x1BF5;
	[smem:$0x3FB3] =	sst s0  }
0x18: {  	s0 =	sld [smem:$0x3F96];
	_ =	swait.ge [sflag:s4], $0x0  }
0x19: {  	s7 =	sld [smem:$0x3F97]  }
0x1a: {  	s8 =	sadd.s32 $0xFFFFE003, lr  }
0x1b: {  	s9 =	sadd.s32 $0xFFFFFEF7, lr;
	s5 =	simm.s32 $0xFFFFFFFF;
	p2 =	slt.u32 s8, $0xFFFFF086  }
0x1c: {  	p1 =	slt.u32 s9, $0xF7A;
	s5 =	simm.s32 @!p2 $0x0  }
0x1d: {  	s5 =	simm.s32 @p1 $0x1;
	p0 =	seq.s32 s7, s2  }
0x1e: {  	s7 =	smul.u32 @!p0 $0xF7A, s2;
	p2 =	seq.s32 @!p0 s5, $0x0  }
0x1f: {  	s9 =	smul.u32 $0xF7A, s1;
	s8 =	simm.s32 @!p0 $0x1BF5;
	p2 =	por !p2, p0  }
0x20: {  	[sflag:s8] =	ssyncset.s32 @!p0 $0xFFFFF086;
	s6 =	sadd.s32 @!p0 s3, s7;
	s7 =	simm.s32 @!p0 $0x108  }
0x21: {  	s3 =	sadd.s32 s3, s9;
	s6 =	sadd.s32 @!p0 $0x88, s6;
	s7 =	simm.s32 @p2 $0x1082  }
0x22: {  	[simem:s7], [sflag:s8] =	dma.local @!p0 [hbm:s6], $0xF7A  }
0x23: {  	s9 =	sor.u32 $0xD0000000, s2;
	s6 =	simm.s32 $0x108;
	_ =	swait.ge @!p0 [sflag:s8], $0x0  }
0x24: {  	s3 =	sadd.s32 $0x88, s3;
	s6 =	simm.s32 @!p1 $0x1082;
	[sflag:s4] =	ssyncset.s32 $0xFFFFF086  }
0x25: {  	[simem:s6], [sflag:s4] =	dma.local [hbm:s3], $0xF7A  }
0x26: {  	[smem:$0x3F97] =	sst s1;
	(tag) =	ssettag s2;
	_ =	strace s9  }
0x27: {  	s1 =	sld [smem:$0x3FA7]  }
0x28: {  	s2 =	sld [smem:$0x3FA8]  }
0x29: {  	s4 =	sld [smem:$0x3FAA]  }
0x2a: {  	p0 =	seq.s32 s5, $0x0;
	s5 =	sld [smem:$0x3FAB]  }
0x2b: {  	s6 =	sld [smem:$0x3FAC]  }
0x2c: {  	s7 =	sld [smem:$0x3FAD]  }
0x2d: {  	s3 =	simm.s32 $0x108;
	s8 =	sld [smem:$0x3FAE]  }
0x2e: {  	s3 =	simm.s32 @!p0 $0x1082;
	s9 =	sld [smem:$0x3FAF]  }
0x2f: {  	lr =	sadd.s32 s0, s3;
	s0 =	sld [smem:$0x3FA6]  }
0x30: {  	s3 =	sld [smem:$0x3FA9]  }
0x31: {  	[smem:$0x3FB2] =	sst s10  }
0x32: {  	s10 =	sld [smem:$0x3FB0];
	_ =	sdelay $0x3  }
0x33: {  	p0 =	seq.s32 s10, $0x1;
	s10 =	sld [smem:$0x3FB2];
	_ =	sdelay $0x3  }
0x34: {  	[smem:$0x3FB2] =	sst s10  }
0x35: {  	s10 =	sld [smem:$0x3FB1];
	_ =	sdelay $0x3  }
0x36: {  	p1 =	seq.s32 s10, $0x1;
	s10 =	sld [smem:$0x3FB2];
	_ =	sdelay $0x3  }
0x37: {  	[smem:$0x3FB2] =	sst s10  }
0x38: {  	s10 =	sld [smem:$0x3FB3]  }
0x39: {  	_ = 	snop;
	(pc) =	sbr.ind lr, $3  }
0x3a: {  	_ = 	snop  }
0x3b: {  	_ = 	snop  }
0x3c: {  	p2 =	seq.s32 s10, $0x1;
	s10 =	sld [smem:$0x3FB2]  }
0x3d: {  	_ =	shalt  }
0x3e: {  	_ =	shalt  }
0x3f: {  	_ =	shalt  }
0x40: {  	_ =	shalt  }
0x41: {  	_ =	shalt  }
0x42: {  	_ =	shalt  }
0x43: {  	_ =	shalt  }
0x44: {  	_ =	shalt  }
0x45: {  	_ =	shalt  }
0x46: {  	_ =	shalt  }
0x47: {  	_ =	shalt  }
0x48: {  	_ =	shalt  }
0x49: {  	_ =	shalt  }
0x4a: {  	_ =	shalt  }
0x4b: {  	_ =	shalt  }
0x4c: {  	_ =	shalt  }
0x4d: {  	_ =	shalt  }
0x4e: {  	_ =	shalt  }
0x4f: {  	_ =	shalt  }
0x50: {  	_ =	shalt  }
0x51: {  	_ =	shalt  }
0x52: {  	_ =	shalt  }
0x53: {  	_ =	shalt  }
0x54: {  	_ =	shalt  }
0x55: {  	_ =	shalt  }
0x56: {  	_ =	shalt  }
0x57: {  	_ =	shalt  }
0x58: {  	_ =	shalt  }
0x59: {  	_ =	shalt  }
0x5a: {  	_ =	shalt  }
0x5b: {  	_ =	shalt  }
0x5c: {  	_ =	shalt  }
0x5d: {  	_ =	shalt  }
0x5e: {  	_ =	shalt  }
0x5f: {  	_ =	shalt  }
0x60: {  	_ =	shalt  }
0x61: {  	_ =	shalt  }
0x62: {  	_ =	shalt  }
0x63: {  	_ =	shalt  }
0x64: {  	_ =	shalt  }
0x65: {  	_ =	shalt  }
0x66: {  	_ =	shalt  }
0x67: {  	_ =	shalt  }
0x68: {  	_ =	shalt  }
0x69: {  	_ =	shalt  }
0x6a: {  	_ =	shalt  }
0x6b: {  	_ =	shalt  }
0x6c: {  	_ =	shalt  }
0x6d: {  	_ =	shalt  }
0x6e: {  	_ =	shalt  }
0x6f: {  	_ =	shalt  }
0x70: {  	_ =	shalt  }
0x71: {  	_ =	shalt  }
0x72: {  	_ =	shalt  }
0x73: {  	_ =	shalt  }
0x74: {  	_ =	shalt  }
0x75: {  	_ =	shalt  }
0x76: {  	_ =	shalt  }
0x77: {  	_ =	shalt  }
0x78: {  	_ =	shalt  }
0x79: {  	_ =	shalt  }
0x7a: {  	_ =	shalt  }
0x7b: {  	_ =	shalt  }
0x7c: {  	_ =	shalt  }
0x7d: {  	_ =	shalt  }
0x7e: {  	_ =	shalt  }
0x7f: {  	_ =	shalt  }
0x80: {  	_ =	shalt  }
0x81: {  	_ =	shalt  }
0x82: {  	_ =	shalt  }
0x83: {  	_ =	shalt  }
0x84: {  	_ =	shalt  }
0x85: {  	_ =	shalt  }
0x86: {  	_ =	shalt  }
0x87: {  	_ =	shalt  }
.Lfunc_end0:
.L_simem_size_0:
called_computation_lowered:
.L_overlay_start_0:
0x88: {  	s2 =	sld [smem:$0x3FD9]  }
0x89: {  	s3 =	sld [smem:$0x3FFE];
	_ =	sdelay $0x1  }
0x8a: {  	s1 =	srdreg.scid  }
0x8b: {  	s0 =	sand.u32 $0x1, s1  }
0x8c: {  	s17 =	sshll.u32 s0, $0xA;
	s2 =	sadd.s32 s3, s2  }
0x8d: {  	s2 =	sadd.s32 s2, s17  }
0x8e: {  	[smem:$0x3FBE] =	sst s2  }
0x8f: {  	_ = 	snop  }
0x90: {  	s2 =	sld [smem:$0x3FD0];
	(tm) =	ssettm $0x1  }
0x91: {  	s18 =	sld [smem:$0x3FFB];
	_ =	sdelay $0x3  }
0x92: {  	_ =	strace s18  }
0x93: {  	s3 =	sld [smem:$0x3FFC];
	_ =	sdelay $0x3  }
0x94: {  	_ =	strace s3  }
0x95: {  	s3 =	sld [smem:$0x3FFD];
	_ =	sdelay $0x3  }
0x96: {  	_ =	strace s3  }
0x97: {  	_ =	strace $0x8FFFFFFF  }
0x98: {  	s19 =	sld [smem:$0x3FDB];
	_ =	sdelay $0x1  }
0x99: {  	s4 =	simm.s32 $_scs_section_size  }
0x9a: {  	s5 =	simm.s32 $_size__tile_overlayer_lowered;
	s6 =	simm.s32 $_tile_overlayer_lowered  }
0x9b: {  	s22 =	simm.s32 $0x1BFF;
	s21 =	sshll.u32 s6, $0x1;
	s3 =	sadd.s32 s4, s19  }
0x9c: {  	s7 =	simm.s32 $0x0;
	s20 =	sshll.u32 s5, $0x1;
	s5 =	sadd.s32 s21, s3  }
0x9d: {  	[timem:s7], [sflag:s22] =	dma.local [hbm:s5], s20  }
0x9e: {  	_ =	swait.ge [sflag:s22], s20  }
0x9f: {  	s4 =	ssub.s32 $0x0, s20;
	[sflag:s22] =	ssyncset.done $0x0  }
0xa0: {  	[sflag:s22] =	ssyncadd.s32 s4;
	_ =	sdelay $0x1  }
0xa1: {  	s23 =	simm.s32 $0x1B8B  }
0xa2: {  	_ =	swait.ge [sflag:s23], $0x1  }
0xa3: {  	[sflag:s23] =	ssyncset.done $0x0  }
0xa4: {  	s25 =	simm.s32 $0x1B8E;
	s24 =	sld [smem:$0x3FFE];
	[sflag:s23] =	ssyncadd.s32 $0xFFFFFFFF  }
0xa5: {  	s26 =	simm.s32 $execute0_lowered;
	[smem:$0x3FD2] =	sst s25  }
0xa6: {  	s5 =	sshll.u32 s26, $0x1;
	_ =	strace $0x80000046;
	[dreg:$0x1] =	wrdreg $0xFFFFFFFF  }
0xa7: {  	s28 =	simm.s32 $_size_execute0_lowered;
	s3 =	sadd.s32 s3, s5;
	[dreg:$0x0] =	wrdreg $0x0  }
0xa8: {  	s5 =	sshll.u32 s28, $0x1;
	[dreg:$0x2] =	wrdreg s3  }
0xa9: {  	[dreg:$0x3] =	wrdreg s5  }
0xaa: {  	[dreg:$0x4] =	wrdreg $0xC0  }
0xab: {  	_ =	task [dreg:s7], $0x5FFFF  }
0xac: {  	[dreg:$0x1] =	wrdreg $0xFFFFFFFF  }
0xad: {  	[dreg:$0x0] =	wrdreg $0x60  }
0xae: {  	[dreg:$0x2] =	wrdreg s24  }
0xaf: {  	[dreg:$0x3] =	wrdreg s2  }
0xb0: {  	[dreg:$0x4] =	wrdreg $0x97F00  }
0xb1: {  	[dreg:$0x5] =	wrdreg $0x9  }
0xb2: {  	_ =	task.clear_ibuf [dreg:s7], $0x6FFFF;
	_ =	strace $0x90000046  }
0xb3: {  	s29 =	simm.s32 $0x9;
	_ =	strace $0x80000048  }
0xb4: {  	_ =	swait.ge [sflag:s29], $0x1  }
0xb5: {  	[sflag:s29] =	ssyncadd.s32 $0xFFFFFFFF  }
0xb6: {  	_ =	strace $0x90000048  }
0xb7: {  	_ =	sfence  }
0xb8: {  	s30 =	sld [smem:$0x0];
	_ =	sdelay $0x2  }
0xb9: {  	s31 =	sshll.u32 s1, $0xD;
	s1 =	sshrl.u32 s1, $0x2  }
0xba: {  	s3 =	sand.u32 $0x4000, s31;
	s1 =	sadd.s32 s1, s30  }
0xbb: {  	s0 =	sor.u32 s3, s0;
	s1 =	sshll.u32 s1, $0x11  }
0xbc: {  	s0 =	sor.u32 s1, s0  }
0xbd: {  	s0 =	sadd.s32 $0x8F2B, s0  }
0xbe: {  	[sflag:s0] =	ssyncadd.remote.s32 $0x1  }
0xbf: {  	_ =	sfence.sel $0xFFFF  }
0xc0: {  	[dreg:$0x0] =	wrdreg $0xFFFFFFFF;
	(pc) =	sbr.abs _section_cstart, $3  }
0xc1: {  	[dreg:$0x1] =	wrdreg $0xFFFFFFFF  }
0xc2: {  	_ =	task.clear_ibuf [dreg:s7], $0x2FFFF;
	_ =	strace $0x9FFFFFFF  }
0xc3: {  	(tm) =	ssettm $0x7FFFFFFF  }
tec
execute0_lowered:
.L_overlay_start_1:
0x0: {  	(tag) =	ssettag $0x1  }
0x1: {  	s0 =	rddreg [dreg:$0x0]  }
0x2: {  	s1 =	rddreg [dreg:$0x1]  }
0x3: {  	s2 =	rddreg [dreg:$0x2];
	s3 =	simm.s32 $0x0  }
0x4: {  	s25 =	srdreg.scid;
	s18 =	stileid.u32;
	s19 =	simm.s32 $0x5  }
0x5: {  	s22 =	simm.s32 $0xF0;
	s23 =	simm.s32 $0x78;
	s24 =	simm.s32 $0x1E0  }
0x6: {  	s28 =	simm.s32 $0x4560;
	s29 =	simm.s32 $0x9060;
	s30 =	simm.s32 $0x1  }
0x7: {  	s31 =	simm.s32 $0x3;
	s21 =	simm.s32 $0x0;
	[smem:$0x7FF] =	sst s3  }
0x8: {  	s5 =	sadd.s32 $0x400, s0;
	s6 =	sadd.s32 $0x2C400, s0;
	s4 =	sadd.s32 $0x200, s0  }
0x9: {  	s8 =	sadd.s32 $0x31400, s0;
	s7 =	sshll.u32 s18, $0x1;
	s11 =	smul.u32 $0x15F00, s18  }
0xa: {  	s9 =	sadd.s32 $0x3B600, s0;
	s0 =	sadd.s32 $0x3E200, s0;
	s26 =	sshll.u32 s18, $0x6  }
0xb: {  	s20 =	sadd.s32 $0x15F000, s2;
	p0 =	sne.s32 s18, $0xF;
	_ =	strace $0x80000047  }
0xc: {  	[dreg:$0x4] =	wrdreg s4;
	s4 =	sand.u32 $0x1, s25;
	s20 =	sshrl.u32 @!p0 s20, $0x3  }
0xd: {  	s10 =	ssub.s32 $0x2, s4;
	s7 =	sor.u32 s4, s7;
	s4 =	smul.u32 $0x15F900, s4  }
0xe: {  	s15 =	sadd.s32 s11, s2;
	s12 =	sshrl.u32 s10, $0x1;
	s7 =	smul.u32 $0x2850, s7  }
0xf: {  	s18 =	sshrl.u32 s15, $0x3;
	s12 =	ssub.s32 s10, s12;
	s10 =	sor.u32 $0x1C05, s26  }
0x10: {  	s11 =	sadd.s32 s11, s4;
	s4 =	sshrl.u32 s4, $0x3;
	s26 =	simm.s32 $0x168  }
0x11: {  	s13 =	sshrl.u32 s7, $0x3;
	s11 =	sshrl.u32 s11, $0x3;
	s4 =	sadd.s32 s0, s4  }
0x12: {  	v0 =	vlaneseq.u32;
	s17 =	smax.u32 s12, $0x1;
	s14 =	sadd.s32 s1, s13;
	s13 =	sadd.s32 s8, s13  }
0x13: {  	v1 =	vimm.s32 $0x0;
	v2 =	vimm.s32 $0x1;
	v3 =	vimm.s32 $0x2;
	s0 =	sadd.s32 s0, s11;
	s16 =	sadd.s32 $0x2BE00, s4;
	[dreg:$0x5] =	wrdreg s14  }
0x14: {  	v4 =	vimm.s32 $0x3;
	v5 =	vimm.s32 $0x4;
	v6 =	vimm.s32 $0x5;
	s4 =	simm.s32 $0x4;
	[dreg:$0x6] =	wrdreg s13;
	s13 =	sadd.s32 $0x78, s7  }
0x15: {  	v7 =	vimm.s32 $0x6;
	v8 =	vimm.s32 $0x7;
	v0 =	vor.u32 $0x8, v0;
	s14 =	sadd.s32 $0xF0, s7;
	[dreg:$0x7] =	wrdreg s0;
	s0 =	simm.s32 $0x2  }
.LBB2_1:
0x16: {  	[spmem:s18], [sflag:s10] =	dma.local [hbm:s9], $0x2BE0  }
0x17: {  	_ =	swait.ge [sflag:s19], $0x2BE0  }
0x18: {  	[sflag:s19] =	ssyncset.done $0x0  }
0x19: {  	s7 =	simm.s32 @!p0 $0x5;
	[sflag:s19] =	ssyncadd.s32 $0xFFFFD420  }
0x1a: {  	[spmem:s20], [sflag:s10] =	dma.local @!p0 [hbm:s9], $0x120  }
0x1b: {  	_ =	swait.ge @!p0 [sflag:s7], $0x120  }
0x1c: {  	[sflag:s7] =	ssyncset.done @!p0 $0x0  }
0x1d: {  	s11 =	simm.s32 $0x97E0;
	s25 =	rddreg [dreg:$0x4];
	[sflag:s7] =	ssyncadd.s32 @!p0 $0xFFFFFEE0  }
0x1e: {  	[tilespmem:s11], [sflag:$0x5] =	stream.linear.gather [hbm4b:s25+s3], $0x10, $0x38;
	[tilespmem:$0x1F780] =	vst v63  }
0x1f: {  	_ =	swait.ge [sflag:s19], $0x10  }
0x20: {  	[sflag:s19] =	ssyncset.done $0x0  }
0x21: {  	[sflag:s19] =	ssyncadd.s32 $0xFFFFFFF0  }
0x22: {  	[bflag:$0x0] =	sbarrier.arrive $0xFFFF  }
0x23: {  	s12 =	rddreg [dreg:$0x5]  }
0x24: {  	v9 =	vld [tilespmem:$0x97E0];
	[tilespmem:s3], [sflag:$0x5] =	stream.linear.gather [hbm4b:s12+s3], $0x78, $0x38  }
0x25: {  	_ =	swait.ge [sflag:s19], $0x78  }
0x26: {  	[sflag:s19] =	ssyncset.done $0x0  }
0x27: {  	s15 =	rddreg [dreg:$0x6];
	[sflag:s19] =	ssyncadd.s32 $0xFFFFFF88  }
0x28: {  	[tilespmem:s22], [sflag:$0x5] =	stream.linear.gather [hbm4b:s15+s3], $0x78, $0x38;
	[tilespmem:$0x1F780] =	vst v63  }
0x29: {  	_ =	swait.ge [sflag:s19], $0x78  }
0x2a: {  	[sflag:s19] =	ssyncset.done $0x0  }
0x2b: {  	[sflag:s19] =	ssyncadd.s32 $0xFFFFFF88  }
0x2c: {  	[tilespmem:s24], [sflag:$0x1] =	stream.indirect.gather [hbm4b:s5+s23], $0x90, s3, s23, $0xb8;
	[tilespmem:$0x1F780] =	vst v63  }
0x2d: {  	s25 =	simm.s32 $0x88E0  }
0x2e: {  	[tilespmem:s25], [sflag:$0x3] =	stream.indirect.gather [hbm4b:s6+s23], $0x10, s22, s23, $0xb8;
	[tilespmem:$0x1F780] =	vst v63  }
0x2f: {  	s25 =	simm.s32 $0x0  }
.LBB2_2:
0x30: {  	s7 =	smul.u32 $0xF0, s25;
	_ =	sdelay $0x1  }
0x31: {  	s11 =	sadd.s32 s7, s13  }
0x32: {  	s11 =	sshrl.u32 s11, $0x3  }
0x33: {  	s15 =	simm.s32 $0x0;
	s12 =	sadd.s32 s1, s11  }
0x34: {  	[tilespmem:s23], [sflag:$0x5] =	stream.linear.gather [hbm4b:s12+s15], $0x78, $0x38;
	[tilespmem:$0x1F780] =	vst v63  }
0x35: {  	_ =	swait.ge [sflag:s19], $0x78  }
0x36: {  	[sflag:s19] =	ssyncset.done $0x0  }
0x37: {  	s11 =	sadd.s32 s8, s11;
	[sflag:s19] =	ssyncadd.s32 $0xFFFFFF88  }
0x38: {  	[tilespmem:s26], [sflag:$0x5] =	stream.linear.gather [hbm4b:s11+s15], $0x78, $0x38;
	[tilespmem:$0x1F780] =	vst v63  }
0x39: {  	_ =	swait.ge [sflag:s19], $0x78  }
0x3a: {  	[sflag:s19] =	ssyncset.done $0x0  }
0x3b: {  	[sflag:s19] =	ssyncadd.s32 $0xFFFFFF88  }
0x3c: {  	[tilespmem:s28], [sflag:$0x2] =	stream.indirect.gather [hbm4b:s5+s23], $0x90, s23, s23, $0xb8;
	[tilespmem:$0x1F780] =	vst v63  }
0x3d: {  	_ = 	snop  }
0x3e: {  	[tilespmem:s29], [sflag:$0x4] =	stream.indirect.gather [hbm4b:s6+s23], $0x10, s26, s23, $0xb8;
	[tilespmem:$0x1F780] =	vst v63  }
0x3f: {  	_ =	swait.ge [sflag:s30], $0x4380  }
0x40: {  	[sflag:s30] =	ssyncset.done $0x0  }
0x41: {  	[sflag:s30] =	ssyncadd.s32 $0xFFFFBC80  }
0x42: {  	_ =	swait.ge [sflag:s31], $0x780  }
0x43: {  	[sflag:s31] =	ssyncset.done $0x0  }
0x44: {  	s15 =	simm.s32 $0x0;
	[sflag:s31] =	ssyncadd.s32 $0xFFFFF880  }
0x45: {  	v10 =	vld [tilespmem:s15+$0x88E0]  }
0x46: {  	s11 =	simm.s32 $0x220  }
0x47: {  	v11 =	vld [tilespmem:s11+$0x40];
	_ =	sdelay $0x2  }
0x48: {  	v10 =	vadd.f32 v10, v9;
	_ =	sdelay $0x1  }
0x49: {  	v10 =	vadd.f32 v10, v11;
	_ =	sdelay $0x1  }
0x4a: {  	v11 =	vmul.f32 $2.000000030e-01, v10  }
0x4b: {  	vm0 =	vgt.f32 v10, $0.0e+00  }
0x4c: {  	v10 =	vsel vm0, v10, v11  }
0x4d: {  	v11 =	vperm.xlane v10, v0;
	_ =	sdelay $0x1  }
0x4e: {  	v10 =	vsub.f32 v10, v11;
	_ =	sdelay $0x1  }
0x4f: {  	v10 =	vmul.f32 $1.442695020e+00, v10;
	_ =	sdelay $0x1  }
0x50: {  	(erf) = vpow2.f32 v10;
	_ =	sdelay $0x6  }
0x51: {  	v10 =	vld [tilespmem:s11+$0x30]  }
0x52: {  	v11 =	vld [tilespmem:s11+$0x20]  }
0x53: {  	v12 =	vld [tilespmem:s11+$0x10];
	v13 =	vpop (erf)  }
0x54: {  	v16 =	vld [tilespmem:s11+$0xFFFFFFF0];
	v15 =	vperm.xlane v13, v8  }
0x55: {  	v14 =	vld [tilespmem:s11+$0x0];
	v17 =	vperm.xlane v13, v7  }
0x56: {  	v18 =	vld [tilespmem:s11+$0xFFFFFFE0];
	v19 =	vperm.xlane v13, v6;
	v10 =	vmul.f32 v10, v15  }
0x57: {  	v58 =	vld [tilespmem:s11+$0xFFFFFFD0];
	[tilespmem:s11+$0x40] =	vst v13;
	v60 =	vperm.xlane v13, v4;
	v11 =	vmul.f32 v11, v17  }
0x58: {  	v59 =	vld [tilespmem:s11+$0xFFFFFFC0];
	v20 =	vperm.xlane v13, v5;
	v12 =	vmul.f32 v12, v19;
	[tilespmem:s11+$0x30] =	vst v10  }
0x59: {  	v61 =	vperm.xlane v13, v3;
	v16 =	vmul.f32 v16, v60;
	[tilespmem:s11+$0x20] =	vst v11  }
0x5a: {  	v10 =	vmul.f32 v14, v20;
	v11 =	vperm.xlane v13, v2;
	[tilespmem:s11+$0x10] =	vst v12  }
0x5b: {  	v62 =	vperm.xlane v13, v1;
	v63 =	vmul.f32 v18, v61;
	[tilespmem:s11+$0xFFFFFFF0] =	vst v16  }
0x5c: {  	[tilespmem:s11+$0x0] =	vst v10;
	v10 =	vmul.f32 v58, v11  }
0x5d: {  	[tilespmem:s11+$0xFFFFFFE0] =	vst v63;
	v11 =	vmul.f32 v59, v62  }
0x5e: {  	[tilespmem:s11+$0xFFFFFFD0] =	vst v10  }
0x5f: {  	s12 =	simm.s32 $0x80;
	s15 =	simm.s32 $0x10;
	[tilespmem:s11+$0xFFFFFFC0] =	vst v11  }
.LBB2_3:
0x60: {  	p1 =	sne.s32 s12, $0x1DC0;
	v10 =	vld [tilespmem:s15+$0x88E0]  }
0x61: {  	s11 =	sadd.s32 $0x90, s11  }
0x62: {  	v11 =	vld [tilespmem:s11+$0x40];
	_ =	sdelay $0x2  }
0x63: {  	v10 =	vadd.f32 v10, v9;
	_ =	sdelay $0x1  }
0x64: {  	v10 =	vadd.f32 v10, v11;
	_ =	sdelay $0x1  }
0x65: {  	v11 =	vmul.f32 $2.000000030e-01, v10  }
0x66: {  	vm0 =	vgt.f32 v10, $0.0e+00  }
0x67: {  	v10 =	vsel vm0, v10, v11  }
0x68: {  	v11 =	vperm.xlane v10, v0;
	_ =	sdelay $0x1  }
0x69: {  	v10 =	vsub.f32 v10, v11;
	_ =	sdelay $0x1  }
0x6a: {  	v10 =	vmul.f32 $1.442695020e+00, v10;
	_ =	sdelay $0x1  }
0x6b: {  	(erf) = vpow2.f32 v10;
	_ =	sdelay $0x4  }
0x6c: {  	v10 =	vld [tilespmem:s11+$0x30]  }
0x6d: {  	v11 =	vld [tilespmem:s11+$0x20]  }
0x6e: {  	v12 =	vld [tilespmem:s11+$0x10]  }
0x6f: {  	v13 =	vld [tilespmem:s11+$0x0]  }
0x70: {  	v14 =	vld [tilespmem:s11+$0xFFFFFFF0];
	v15 =	vpop (erf)  }
0x71: {  	[tilespmem:s11+$0x40] =	vst v15;
	v16 =	vld [tilespmem:s11+$0xFFFFFFE0];
	v17 =	vperm.xlane v15, v7;
	v18 =	vperm.xlane v15, v8  }
0x72: {  	v20 =	vperm.xlane v15, v5;
	v21 =	vperm.xlane v15, v6;
	v19 =	vld [tilespmem:s11+$0xFFFFFFD0]  }
0x73: {  	v22 =	vld [tilespmem:s11+$0xFFFFFFC0];
	v11 =	vmul.f32 v11, v17;
	v10 =	vmul.f32 v10, v18  }
0x74: {  	v12 =	vmul.f32 v12, v21;
	v13 =	vmul.f32 v13, v20  }
0x75: {  	v17 =	vperm.xlane v15, v3;
	v18 =	vperm.xlane v15, v4;
	[tilespmem:s11+$0x30] =	vst v10  }
0x76: {  	v10 =	vperm.xlane v15, v1;
	v15 =	vperm.xlane v15, v2;
	[tilespmem:s11+$0x20] =	vst v11  }
0x77: {  	v14 =	vmul.f32 v14, v18;
	v11 =	vmul.f32 v16, v17;
	[tilespmem:s11+$0x10] =	vst v12  }
.Ltmp0:
0x78: {  	v12 =	vmul.f32 v19, v15;
	v10 =	vmul.f32 v22, v10;
	[tilespmem:s11+$0x0] =	vst v13;
	(pc) =	sbr.rel @p1 .LBB2_3-.Ltmp0, $4  }
0x79: {  	[tilespmem:s11+$0xFFFFFFF0] =	vst v14  }
0x7a: {  	[tilespmem:s11+$0xFFFFFFE0] =	vst v11  }
0x7b: {  	[tilespmem:s11+$0xFFFFFFD0] =	vst v12  }
0x7c: {  	s15 =	sshra.s32 s12, $0x2;
	s12 =	sadd.s32 $0x40, s12;
	[tilespmem:s11+$0xFFFFFFC0] =	vst v10  }
0x7d: {  	v10 =	vld [tilespmem:s15+$0x88E0]  }
0x7e: {  	s11 =	sadd.s32 $0x90, s11  }
0x7f: {  	v11 =	vld [tilespmem:s11+$0x40];
	_ =	sdelay $0x2  }
0x80: {  	v10 =	vadd.f32 v10, v9;
	_ =	sdelay $0x1  }
0x81: {  	v10 =	vadd.f32 v10, v11;
	_ =	sdelay $0x1  }
0x82: {  	v11 =	vmul.f32 $2.000000030e-01, v10  }
0x83: {  	vm0 =	vgt.f32 v10, $0.0e+00  }
0x84: {  	v10 =	vsel vm0, v10, v11  }
0x85: {  	v11 =	vperm.xlane v10, v0;
	_ =	sdelay $0x1  }
0x86: {  	v10 =	vsub.f32 v10, v11;
	_ =	sdelay $0x1  }
0x87: {  	v10 =	vmul.f32 $1.442695020e+00, v10;
	_ =	sdelay $0x1  }
0x88: {  	(erf) = vpow2.f32 v10;
	_ =	sdelay $0x6  }
0x89: {  	v10 =	vld [tilespmem:s11+$0x30]  }
0x8a: {  	v11 =	vld [tilespmem:s11+$0x20]  }
0x8b: {  	v12 =	vld [tilespmem:s11+$0x10];
	v13 =	vpop (erf)  }
0x8c: {  	v16 =	vld [tilespmem:s11+$0xFFFFFFF0];
	v15 =	vperm.xlane v13, v8  }
0x8d: {  	v14 =	vld [tilespmem:s11+$0x0];
	v17 =	vperm.xlane v13, v7  }
0x8e: {  	v18 =	vld [tilespmem:s11+$0xFFFFFFE0];
	v19 =	vperm.xlane v13, v6;
	v10 =	vmul.f32 v10, v15  }
0x8f: {  	v43 =	vld [tilespmem:s11+$0xFFFFFFD0];
	[tilespmem:s11+$0x40] =	vst v13;
	v45 =	vperm.xlane v13, v4;
	v11 =	vmul.f32 v11, v17  }
0x90: {  	v44 =	vld [tilespmem:s11+$0xFFFFFFC0];
	v20 =	vperm.xlane v13, v5;
	v12 =	vmul.f32 v12, v19;
	[tilespmem:s11+$0x30] =	vst v10  }
0x91: {  	v46 =	vperm.xlane v13, v3;
	v16 =	vmul.f32 v16, v45;
	[tilespmem:s11+$0x20] =	vst v11  }
0x92: {  	v10 =	vmul.f32 v14, v20;
	v11 =	vperm.xlane v13, v2;
	[tilespmem:s11+$0x10] =	vst v12  }
0x93: {  	v47 =	vperm.xlane v13, v1;
	v48 =	vmul.f32 v18, v46;
	[tilespmem:s11+$0xFFFFFFF0] =	vst v16  }
0x94: {  	[tilespmem:s11+$0x0] =	vst v10;
	v10 =	vmul.f32 v43, v11  }
0x95: {  	[tilespmem:s11+$0xFFFFFFE0] =	vst v48;
	v11 =	vmul.f32 v44, v47  }
0x96: {  	[tilespmem:s11+$0xFFFFFFD0] =	vst v10  }
0x97: {  	p1 =	seq.s32 s25, $0x2A;
	[tilespmem:s11+$0xFFFFFFC0] =	vst v11  }
0x98: {  	[spmem:s2] =	stream.indirect.scatter.add.f32 [tilespmem:s24], [sflag:$0x5], $0x90, s22, s23, $0xb8;
	[tilespmem:$0x1F780] =	vst v63  }
0x99: {  	s7 =	sadd.s32 @!p1 s7, s14;
	_ =	swait.ge [sflag:s19], $0x4380  }
0x9a: {  	s7 =	sshrl.u32 @!p1 s7, $0x3;
	[sflag:s19] =	ssyncset.done $0x0  }
0x9b: {  	s12 =	simm.s32 @!p1 $0x0;
	s11 =	sadd.s32 @!p1 s1, s7;
	[sflag:s19] =	ssyncadd.s32 $0xFFFFBC80  }
0x9c: {  	[tilespmem:s12], [sflag:$0x5] =	stream.linear.gather @!p1 [hbm4b:s11+s12], $0x78, $0x38;
	[tilespmem:$0x1F780] =	vst v63  }
0x9d: {  	s11 =	simm.s32 @!p1 $0x5  }
0x9e: {  	_ =	swait.ge @!p1 [sflag:s11], $0x78  }
0x9f: {  	[sflag:s11] =	ssyncset.done @!p1 $0x0  }
0xa0: {  	s15 =	simm.s32 @!p1 $0xF0;
	s7 =	sadd.s32 @!p1 s8, s7;
	[sflag:s11] =	ssyncadd.s32 @!p1 $0xFFFFFF88  }
0xa1: {  	[tilespmem:s15], [sflag:$0x5] =	stream.linear.gather @!p1 [hbm4b:s7+s12], $0x78, $0x38;
	[tilespmem:$0x1F780] =	vst v63  }
0xa2: {  	_ =	swait.ge @!p1 [sflag:s11], $0x78  }
0xa3: {  	[sflag:s11] =	ssyncset.done @!p1 $0x0  }
0xa4: {  	s7 =	simm.s32 @!p1 $0x78;
	[sflag:s11] =	ssyncadd.s32 @!p1 $0xFFFFFF88;
	s11 =	simm.s32 @!p1 $0x1E0  }
0xa5: {  	[tilespmem:s11], [sflag:$0x1] =	stream.indirect.gather @!p1 [hbm4b:s5+s7], $0x90, s12, s7, $0xb8;
	[tilespmem:$0x1F780] =	vst v63  }
0xa6: {  	s11 =	simm.s32 @!p1 $0x88E0  }
0xa7: {  	[tilespmem:s11], [sflag:$0x3] =	stream.indirect.gather @!p1 [hbm4b:s6+s7], $0x10, s15, s7, $0xb8;
	[tilespmem:$0x1F780] =	vst v63  }
0xa8: {  	_ =	swait.ge [sflag:s0], $0x4380  }
0xa9: {  	[sflag:s0] =	ssyncset.done $0x0  }
0xaa: {  	[sflag:s0] =	ssyncadd.s32 $0xFFFFBC80  }
0xab: {  	_ =	swait.ge [sflag:s4], $0x780  }
0xac: {  	[sflag:s4] =	ssyncset.done $0x0  }
0xad: {  	s15 =	simm.s32 $0x0;
	[sflag:s4] =	ssyncadd.s32 $0xFFFFF880  }
0xae: {  	v10 =	vld [tilespmem:s15+$0x9060]  }
0xaf: {  	s7 =	simm.s32 $0x45A0  }
0xb0: {  	v11 =	vld [tilespmem:s7+$0x40];
	_ =	sdelay $0x2  }
0xb1: {  	v10 =	vadd.f32 v10, v9;
	_ =	sdelay $0x1  }
0xb2: {  	v10 =	vadd.f32 v10, v11;
	_ =	sdelay $0x1  }
0xb3: {  	v11 =	vmul.f32 $2.000000030e-01, v10  }
0xb4: {  	vm15 =	vgt.f32 v10, $0.0e+00  }
0xb5: {  	v10 =	vsel vm15, v10, v11  }
0xb6: {  	v11 =	vperm.xlane v10, v0;
	_ =	sdelay $0x1  }
0xb7: {  	v10 =	vsub.f32 v10, v11;
	_ =	sdelay $0x1  }
0xb8: {  	v10 =	vmul.f32 $1.442695020e+00, v10;
	_ =	sdelay $0x1  }
0xb9: {  	(erf) = vpow2.f32 v10;
	_ =	sdelay $0x6  }
0xba: {  	v10 =	vld [tilespmem:s7+$0x30]  }
0xbb: {  	v11 =	vld [tilespmem:s7+$0x20]  }
0xbc: {  	v49 =	vld [tilespmem:s7+$0x10];
	v50 =	vpop (erf)  }
0xbd: {  	v53 =	vld [tilespmem:s7+$0xFFFFFFF0];
	v52 =	vperm.xlane v50, v8  }
0xbe: {  	v51 =	vld [tilespmem:s7+$0x0];
	v54 =	vperm.xlane v50, v7  }
0xbf: {  	v55 =	vld [tilespmem:s7+$0xFFFFFFE0];
	v56 =	vperm.xlane v50, v6;
	v10 =	vmul.f32 v10, v52  }
0xc0: {  	v57 =	vld [tilespmem:s7+$0xFFFFFFD0];
	[tilespmem:s7+$0x40] =	vst v50;
	v60 =	vperm.xlane v50, v4;
	v11 =	vmul.f32 v11, v54  }
0xc1: {  	v59 =	vld [tilespmem:s7+$0xFFFFFFC0];
	v58 =	vperm.xlane v50, v5;
	v12 =	vmul.f32 v49, v56;
	[tilespmem:s7+$0x30] =	vst v10  }
0xc2: {  	v61 =	vperm.xlane v50, v3;
	v16 =	vmul.f32 v53, v60;
	[tilespmem:s7+$0x20] =	vst v11  }
0xc3: {  	v10 =	vmul.f32 v51, v58;
	v11 =	vperm.xlane v50, v2;
	[tilespmem:s7+$0x10] =	vst v12  }
0xc4: {  	v62 =	vperm.xlane v50, v1;
	v63 =	vmul.f32 v55, v61;
	[tilespmem:s7+$0xFFFFFFF0] =	vst v16  }
0xc5: {  	[tilespmem:s7+$0x0] =	vst v10;
	v10 =	vmul.f32 v57, v11  }
0xc6: {  	[tilespmem:s7+$0xFFFFFFE0] =	vst v63;
	v11 =	vmul.f32 v59, v62  }
0xc7: {  	[tilespmem:s7+$0xFFFFFFD0] =	vst v10  }
0xc8: {  	s12 =	simm.s32 $0x10;
	s11 =	simm.s32 $0x80;
	[tilespmem:s7+$0xFFFFFFC0] =	vst v11  }
.LBB2_5:
0xc9: {  	p1 =	sne.s32 s11, $0x1DC0;
	v10 =	vld [tilespmem:s12+$0x9060]  }
0xca: {  	s7 =	sadd.s32 $0x90, s7  }
0xcb: {  	v11 =	vld [tilespmem:s7+$0x40];
	_ =	sdelay $0x2  }
0xcc: {  	v10 =	vadd.f32 v10, v9;
	_ =	sdelay $0x1  }
0xcd: {  	v10 =	vadd.f32 v10, v11;
	_ =	sdelay $0x1  }
0xce: {  	v11 =	vmul.f32 $2.000000030e-01, v10  }
0xcf: {  	vm0 =	vgt.f32 v10, $0.0e+00  }
0xd0: {  	v10 =	vsel vm0, v10, v11  }
0xd1: {  	v11 =	vperm.xlane v10, v0;
	_ =	sdelay $0x1  }
0xd2: {  	v10 =	vsub.f32 v10, v11;
	_ =	sdelay $0x1  }
0xd3: {  	v10 =	vmul.f32 $1.442695020e+00, v10;
	_ =	sdelay $0x1  }
0xd4: {  	(erf) = vpow2.f32 v10;
	_ =	sdelay $0x4  }
0xd5: {  	v10 =	vld [tilespmem:s7+$0x30]  }
0xd6: {  	v11 =	vld [tilespmem:s7+$0x20]  }
0xd7: {  	v12 =	vld [tilespmem:s7+$0x10]  }
0xd8: {  	v13 =	vld [tilespmem:s7+$0x0]  }
0xd9: {  	v14 =	vld [tilespmem:s7+$0xFFFFFFF0];
	v15 =	vpop (erf)  }
0xda: {  	[tilespmem:s7+$0x40] =	vst v15;
	v16 =	vld [tilespmem:s7+$0xFFFFFFE0];
	v17 =	vperm.xlane v15, v7;
	v18 =	vperm.xlane v15, v8  }
0xdb: {  	v20 =	vperm.xlane v15, v5;
	v21 =	vperm.xlane v15, v6;
	v19 =	vld [tilespmem:s7+$0xFFFFFFD0]  }
0xdc: {  	v22 =	vld [tilespmem:s7+$0xFFFFFFC0];
	v11 =	vmul.f32 v11, v17;
	v10 =	vmul.f32 v10, v18  }
0xdd: {  	v12 =	vmul.f32 v12, v21;
	v13 =	vmul.f32 v13, v20  }
0xde: {  	v17 =	vperm.xlane v15, v3;
	v18 =	vperm.xlane v15, v4;
	[tilespmem:s7+$0x30] =	vst v10  }
0xdf: {  	v10 =	vperm.xlane v15, v1;
	v15 =	vperm.xlane v15, v2;
	[tilespmem:s7+$0x20] =	vst v11  }
0xe0: {  	v14 =	vmul.f32 v14, v18;
	v11 =	vmul.f32 v16, v17;
	[tilespmem:s7+$0x10] =	vst v12  }
.Ltmp1:
0xe1: {  	v12 =	vmul.f32 v19, v15;
	v10 =	vmul.f32 v22, v10;
	[tilespmem:s7+$0x0] =	vst v13;
	(pc) =	sbr.rel @p1 .LBB2_5-.Ltmp1, $4  }
0xe2: {  	[tilespmem:s7+$0xFFFFFFF0] =	vst v14  }
0xe3: {  	[tilespmem:s7+$0xFFFFFFE0] =	vst v11  }
0xe4: {  	[tilespmem:s7+$0xFFFFFFD0] =	vst v12  }
0xe5: {  	s12 =	sshra.s32 s11, $0x2;
	s11 =	sadd.s32 $0x40, s11;
	[tilespmem:s7+$0xFFFFFFC0] =	vst v10  }
0xe6: {  	v10 =	vld [tilespmem:s12+$0x9060]  }
0xe7: {  	s7 =	sadd.s32 $0x90, s7  }
0xe8: {  	v11 =	vld [tilespmem:s7+$0x40];
	_ =	sdelay $0x2  }
0xe9: {  	v10 =	vadd.f32 v10, v9;
	_ =	sdelay $0x1  }
0xea: {  	v10 =	vadd.f32 v10, v11;
	_ =	sdelay $0x1  }
0xeb: {  	v11 =	vmul.f32 $2.000000030e-01, v10  }
0xec: {  	vm0 =	vgt.f32 v10, $0.0e+00  }
0xed: {  	v10 =	vsel vm0, v10, v11  }
0xee: {  	v11 =	vperm.xlane v10, v0;
	_ =	sdelay $0x1  }
0xef: {  	v10 =	vsub.f32 v10, v11;
	_ =	sdelay $0x1  }
0xf0: {  	v10 =	vmul.f32 $1.442695020e+00, v10;
	_ =	sdelay $0x1  }
0xf1: {  	(erf) = vpow2.f32 v10;
	_ =	sdelay $0x6  }
0xf2: {  	v10 =	vld [tilespmem:s7+$0x30]  }
0xf3: {  	v11 =	vld [tilespmem:s7+$0x20]  }
0xf4: {  	v12 =	vld [tilespmem:s7+$0x10];
	v13 =	vpop (erf)  }
0xf5: {  	v16 =	vld [tilespmem:s7+$0xFFFFFFF0];
	v15 =	vperm.xlane v13, v8  }
0xf6: {  	v14 =	vld [tilespmem:s7+$0x0];
	v17 =	vperm.xlane v13, v7  }
0xf7: {  	v18 =	vld [tilespmem:s7+$0xFFFFFFE0];
	v19 =	vperm.xlane v13, v6;
	v10 =	vmul.f32 v10, v15  }
0xf8: {  	v58 =	vld [tilespmem:s7+$0xFFFFFFD0];
	[tilespmem:s7+$0x40] =	vst v13;
	v60 =	vperm.xlane v13, v4;
	v11 =	vmul.f32 v11, v17  }
0xf9: {  	v59 =	vld [tilespmem:s7+$0xFFFFFFC0];
	v20 =	vperm.xlane v13, v5;
	v12 =	vmul.f32 v12, v19;
	[tilespmem:s7+$0x30] =	vst v10  }
0xfa: {  	v61 =	vperm.xlane v13, v3;
	v16 =	vmul.f32 v16, v60;
	[tilespmem:s7+$0x20] =	vst v11  }
0xfb: {  	v10 =	vmul.f32 v14, v20;
	v11 =	vperm.xlane v13, v2;
	[tilespmem:s7+$0x10] =	vst v12  }
0xfc: {  	v62 =	vperm.xlane v13, v1;
	v63 =	vmul.f32 v18, v61;
	[tilespmem:s7+$0xFFFFFFF0] =	vst v16  }
0xfd: {  	[tilespmem:s7+$0x0] =	vst v10;
	v10 =	vmul.f32 v58, v11  }
0xfe: {  	s25 =	sadd.s32 $0x1, s25;
	[tilespmem:s7+$0xFFFFFFE0] =	vst v63;
	v11 =	vmul.f32 v59, v62  }
0xff: {  	p1 =	sne.s32 s25, $0x2B;
	[tilespmem:s7+$0xFFFFFFD0] =	vst v10  }
.Ltmp2:
0x100: {  	[tilespmem:s7+$0xFFFFFFC0] =	vst v11;
	(pc) =	sbr.rel @p1 .LBB2_2-.Ltmp2, $4  }
0x101: {  	[spmem:s2] =	stream.indirect.scatter.add.f32 [tilespmem:s28], [sflag:$0x5], $0x90, s26, s23, $0xb8;
	[tilespmem:$0x1F780] =	vst v63  }
0x102: {  	_ =	swait.ge [sflag:s19], $0x4380  }
0x103: {  	[sflag:s19] =	ssyncset.done $0x0  }
0x104: {  	[sflag:s19] =	ssyncadd.s32 $0xFFFFBC80  }
0x105: {  	[bflag:$0x0] =	sbarrier.arrive $0xFFFF  }
0x106: {  	s7 =	rddreg [dreg:$0x7]  }
0x107: {  	[hbm:s7], [sflag:s10] =	dma.local [spmem:s18], $0x2BE0  }
0x108: {  	s21 =	sadd.s32 $0x1, s21;
	_ =	swait.ge [sflag:s19], $0x2BE0  }
0x109: {  	p1 =	sne.s32 s21, s17;
	[sflag:s19] =	ssyncset.done $0x0  }
.Ltmp3:
0x10a: {  	s7 =	simm.s32 @!p0 $0x5;
	[sflag:s19] =	ssyncadd.s32 $0xFFFFD420;
	(pc) =	sbr.rel @p1 .LBB2_1-.Ltmp3, $4  }
0x10b: {  	[hbm:s16], [sflag:s10] =	dma.local @!p0 [spmem:s20], $0x120  }
0x10c: {  	_ =	swait.ge @!p0 [sflag:s7], $0x120  }
0x10d: {  	[sflag:s7] =	ssyncset.done @!p0 $0x0  }
0x10e: {  	[sflag:s7] =	ssyncadd.s32 @!p0 $0xFFFFFEE0  }
0x10f: {  	_ =	sfence.sel $0x180000  }
0x110: {  	[bflag:$0x0] =	sbarrier.arrive $0xFFFF  }
0x111: {  	_ =	strace $0x90000047  }
0x112: {  	s0 =	stileid.u32;
	[bflag:$0x2] =	sbarrier.arrive $0xFFFF  }
0x113: {  	p0 =	sne.s32 s0, $0x0;
	s0 =	rddreg [dreg:$0x3]  }
0x114: {  	s0 =	sadd.s32 @!p0 $0x100000, s0  }
0x115: {  	[sflag:s0] =	ssyncadd.tile.s32 @!p0 $0x1;
	_ =	shalt  }
.Lfunc_end2:
_tile_overlayer_lowered:
.L_overlay_start_2:
0x116: {  	(tag) =	ssettag $0x2  }
0x117: {  	s0 =	rddreg [dreg:$0x0];
	s2 =	stileid.u32  }
0x118: {  	s1 =	rddreg [dreg:$0x1];
	p0 =	sne.s32 s2, $0x0  }
0x119: {  	s3 =	rddreg [dreg:$0x2];
	[bflag:$0x3] =	sbarrier.arrive $0xFFFF;
	s2 =	simm.s32 @!p0 $0x1C05  }
0x11a: {  	[timem:s3], [sflag:s2] =	dma.local @!p0 [hbm:s0], s1  }
0x11b: {  	s0 =	simm.s32 @!p0 $0x5  }
0x11c: {  	_ =	swait.ge @!p0 [sflag:s0], s1  }
0x11d: {  	s1 =	ssub.s32 @!p0 $0x0, s1;
	[sflag:s0] =	ssyncset.done @!p0 $0x0  }
0x11e: {  	[sflag:s0] =	ssyncadd.s32 @!p0 s1  }
0x11f: {  	[bflag:$0x3] =	sbarrier.arrive $0xFFFF  }
0x120: {  	_ =	shalt  }

</sc_bundles>
